<compile_context>
chip_gen: v7x
topology: tpu7x:2x2x1
jax: 0.10.2.dev20260603
libtpu: 0.0.44.dev20260713+nightly
codegen_flags: <defaults>
</compile_context>

<pallas_src>
import functools

import jax
import jax.numpy as jnp
from jax import lax
from jax.experimental import pallas as pl
from jax.experimental.pallas import tpu as pltpu
from jax.experimental.pallas import tpu_sc as plsc

N = 10000
C = 128
E = 320000

NW = 32
NPAD = 10240
CHUNK = 128
KB = 1
NCHUNK = 80
NOP = NCHUNK // KB
E_PER_W = NCHUNK * CHUNK
EPAD = NW * E_PER_W
ROWS_PER_TILE = NPAD // 16

_MESH = plsc.VectorSubcoreMesh(core_axis_name="c", subcore_axis_name="s")


@functools.partial(
    pl.kernel,
    out_type=jax.ShapeDtypeStruct((NW, NPAD), jnp.float32),
    mesh=_MESH,
    scratch_types=[
        pltpu.VMEM((E_PER_W,), jnp.int32),
        pltpu.VMEM((NPAD,), jnp.float32),
    ],
    compiler_params=pltpu.CompilerParams(needs_layout_passes=False),
)
def _deg_kernel(dst_hbm, degp_hbm, dst_v, deg_v):
    c = lax.axis_index("c")
    s = lax.axis_index("s")
    wid = s * 2 + c

    zero16 = jnp.zeros((16,), jnp.float32)

    def zbody(i, carry):
        deg_v[pl.ds(i * 16, 16)] = zero16
        return carry

    lax.fori_loop(0, NPAD // 16, zbody, 0)

    pltpu.sync_copy(dst_hbm.at[pl.ds(wid * E_PER_W, E_PER_W)], dst_v)
    ones16 = jnp.ones((16,), jnp.float32)

    def body(i, carry):
        idx = dst_v[pl.ds(i * 16, 16)]
        plsc.addupdate_scatter(deg_v, [idx], ones16)
        return carry

    lax.fori_loop(0, E_PER_W // 16, body, 0)
    pltpu.sync_copy(deg_v, degp_hbm.at[wid])


def _mm_body(x_ref, w_ref, degp_ref, g_ref, dis_ref):
    h = jnp.dot(x_ref[...], w_ref[...], preferred_element_type=jnp.float32)
    deg = jnp.sum(degp_ref[...], axis=0) + 1.0
    dis = lax.rsqrt(deg)
    g_ref[...] = h * dis[:, None]
    dis_ref[...] = dis[:, None]


def _matmul_norm(x_pad, W, degp):
    BM = 256
    return pl.pallas_call(
        _mm_body,
        grid=(NPAD // BM,),
        in_specs=[
            pl.BlockSpec((BM, C), lambda i: (i, 0)),
            pl.BlockSpec((C, C), lambda i: (0, 0)),
            pl.BlockSpec((NW, BM), lambda i: (0, i)),
        ],
        out_specs=[
            pl.BlockSpec((BM, C), lambda i: (i, 0)),
            pl.BlockSpec((BM, 1), lambda i: (i, 0)),
        ],
        out_shape=[
            jax.ShapeDtypeStruct((NPAD, C), jnp.float32),
            jax.ShapeDtypeStruct((NPAD, 1), jnp.float32),
        ],
    )(x_pad, W, degp)


@functools.partial(
    pl.kernel,
    out_type=jax.ShapeDtypeStruct((2, NPAD, C), jnp.float32),
    mesh=_MESH,
    scratch_types=[
        pltpu.VMEM((NOP, CHUNK), jnp.int32),
        pltpu.VMEM((2, CHUNK), jnp.int32),
        pltpu.VMEM((2, CHUNK), jnp.int32),
        pltpu.VMEM((KB * CHUNK, C), jnp.float32),
        pltpu.VMEM((KB * CHUNK, C), jnp.float32),
        pltpu.VMEM_SHARED((NPAD, C), jnp.float32),
        pltpu.SemaphoreType.DMA,
        pltpu.SemaphoreType.DMA,
    ],
    compiler_params=pltpu.CompilerParams(needs_layout_passes=False),
)
def _edge_kernel(pk_hbm, g_hbm, outp_hbm, pk_w, src_c, dst_c, buf_a, buf_b,
                 S_sh, gsem_a, gsem_b):
    c = lax.axis_index("c")
    s = lax.axis_index("s")
    wid = s * 2 + c

    bufs = (buf_a, buf_b)
    gsems = (gsem_a, gsem_b)

    pltpu.sync_copy(pk_hbm.at[wid], pk_w)

    zero16 = jnp.zeros((16,), jnp.float32)

    def zbody(i, carry):
        for j in range(C // 16):
            buf_a[i, pl.ds(j * 16, 16)] = zero16
        return carry

    lax.fori_loop(0, KB * CHUNK, zbody, 0)

    base0 = s * ROWS_PER_TILE
    for k in range(ROWS_PER_TILE // (KB * CHUNK)):
        sl = pl.ds(base0 + k * KB * CHUNK, KB * CHUNK)

        @pl.when(c == 0)
        def _():
            pltpu.sync_copy(g_hbm.at[sl], S_sh.at[sl])

        @pl.when(c == 1)
        def _():
            pltpu.sync_copy(buf_a, S_sh.at[sl])

    mask14 = jnp.full((16,), (1 << 14) - 1, jnp.int32)

    def unpack(k, slot):
        for v in range(CHUNK // 16):
            pk = pk_w[k, pl.ds(v * 16, 16)]
            src_c[slot, pl.ds(v * 16, 16)] = lax.shift_right_logical(pk, 14)
            dst_c[slot, pl.ds(v * 16, 16)] = lax.bitwise_and(pk, mask14)

    def start_gather(slot, p):
        pltpu.async_copy(g_hbm.at[src_c.at[slot]], bufs[p], gsems[p])

    def wait_gather(p):
        pltpu.make_async_copy(g_hbm.at[src_c.at[0]], bufs[p],
                              gsems[p]).wait()

    def scatter(slot, p):
        pltpu.sync_copy(bufs[p], S_sh.at[dst_c.at[slot]], add=True)

    unpack(0, 0)
    start_gather(0, 0)
    plsc.subcore_barrier()

    def step(j, p):
        unpack(j + 1, 1 - p)
        wait_gather(p)
        start_gather(1 - p, 1 - p)
        scatter(p, p)

    step(0, 0)

    def pbody(i, carry):
        j = 1 + i * 2
        step(j, 1)
        step(j + 1, 0)
        return carry

    lax.fori_loop(0, (NOP - 2) // 2, pbody, 0)

    wait_gather(1)
    scatter(1, 1)
    plsc.subcore_barrier()

    for k in range(ROWS_PER_TILE // (KB * CHUNK)):
        base = base0 + k * KB * CHUNK
        pltpu.sync_copy(S_sh.at[pl.ds(base, KB * CHUNK)], buf_a)
        pltpu.sync_copy(buf_a, outp_hbm.at[c, pl.ds(base, KB * CHUNK)])


def _fin_body(s0_ref, s1_ref, dis_ref, b_ref, o_ref):
    t = (s0_ref[...] + s1_ref[...]) * dis_ref[...]
    o_ref[...] = jnp.maximum(t + b_ref[...], 0.0)


def _finish(S0, S1, dis, b2):
    BM = 256
    return pl.pallas_call(
        _fin_body,
        grid=(NPAD // BM,),
        in_specs=[
            pl.BlockSpec((BM, C), lambda i: (i, 0)),
            pl.BlockSpec((BM, C), lambda i: (i, 0)),
            pl.BlockSpec((BM, 1), lambda i: (i, 0)),
            pl.BlockSpec((1, C), lambda i: (0, 0)),
        ],
        out_specs=pl.BlockSpec((BM, C), lambda i: (i, 0)),
        out_shape=jax.ShapeDtypeStruct((NPAD, C), jnp.float32),
    )(S0, S1, dis, b2)


def kernel(x, edge_index, W, b):
    ei = edge_index.astype(jnp.int32)
    pad = N + (jnp.arange(EPAD - E, dtype=jnp.int32) % (NPAD - N))
    src_p = jnp.concatenate([ei[0], pad])
    dst_p = jnp.concatenate([ei[1], pad])
    pk3 = ((src_p << 14) | dst_p).reshape(NW, NOP, CHUNK)

    x_pad = jnp.pad(x, ((0, NPAD - N), (0, 0)))

    degp = _deg_kernel(dst_p)
    g, dis = _matmul_norm(x_pad, W, degp)
    Sp = _edge_kernel(pk3, g)
    out = _finish(Sp[0], Sp[1], dis, b.reshape(1, C))
    return out[:N]

# --- scband reference (transcript-rebuilt; emitter-appended) ---
"""Pipeline reference for scband-gcnencoder-35201551958712 (READ-ONLY COPY).

The authoritative reference and input builder live on the scoring server;
editing this copy changes nothing except your own understanding.
"""

import jax, jax.numpy as jnp
import numpy as np

N_NODES = 10000
IN_CH = 128
OUT_CH = 128
N_EDGES = 320000

def setup_inputs(seed: int = 0) -> dict:
    key = jax.random.key(seed)
    k1, k2, k3, k4 = jax.random.split(key, 4)
    x = jax.random.normal(k1, (N_NODES, IN_CH), dtype=jnp.float32)
    edge_index = jax.random.randint(k2, (2, N_EDGES), 0, N_NODES, dtype=jnp.int64)
    # GCNConv linear weight (glorot) and zero bias, per PyG defaults
    limit = float(np.sqrt(6.0 / (IN_CH + OUT_CH)))
    W = jax.random.uniform(k3, (IN_CH, OUT_CH), minval=-limit, maxval=limit, dtype=jnp.float32)
    b = jnp.zeros((OUT_CH,), dtype=jnp.float32)
    return {"x": x, "edge_index": edge_index, "W": W, "b": b}

def reference(x, edge_index, W, b):
    N = x.shape[0]
    # GCNConv with add_self_loops=True, normalize=True (PyG defaults)
    src = edge_index[0]
    dst = edge_index[1]
    loop = jnp.arange(N, dtype=src.dtype)
    src = jnp.concatenate([src, loop])
    dst = jnp.concatenate([dst, loop])
    # linear transform first
    h = x @ W
    # symmetric normalization D^{-1/2} A_hat D^{-1/2}
    ones = jnp.ones(src.shape[0], dtype=h.dtype)
    deg = jax.ops.segment_sum(ones, dst, num_segments=N)
    deg_inv_sqrt = jnp.where(deg > 0, deg ** -0.5, 0.0)
    norm = deg_inv_sqrt[src] * deg_inv_sqrt[dst]
    # message: norm * x_j  (gather by src)
    msg = h[src] * norm[:, None]
    # aggregate: scatter-add to dst
    out = jax.ops.segment_sum(msg, dst, num_segments=N)
    out = out + b
    # encoder applies relu
    return jax.nn.relu(out)

if __name__ == "__main__":
    import jax
    _d = setup_inputs()
    print(jax.jit(kernel)(*tuple(_d.values())))

</pallas_src>

<mosaic_0001>
#map = affine_map<(d0, d1) -> (0)>
#map1 = affine_map<(d0, d1) -> (0, 0)>
module attributes {stable_mosaic.version = 14 : i64} {
  func.func @_deg_kernel(%arg0: i32, %arg1: i32, %arg2: memref<327680xi32, #tpu.memory_space<hbm>>, %arg3: memref<32x10240xf32, #tpu.memory_space<hbm>>, %arg4: memref<10240xi32, #tpu.memory_space<vmem>>, %arg5: memref<10240xf32, #tpu.memory_space<vmem>>) attributes {dimension_semantics = [#tpu.dimension_semantics<core_parallel>, #tpu.dimension_semantics<subcore_parallel>], iteration_bounds = array<i64: 2, 16>, scalar_prefetch = 0 : i64, scratch_operands = 2 : i64, tpu.core_type = #tpu.core_type<sc_vector_subcore>, window_params = [{transform_indices = #map}, {transform_indices = #map1}]} {
    %mul3A = arith.constant 2 : i32
    %mul3A_0 = arith.muli %arg1, %mul3A : i32
    %add3A = arith.addi %mul3A_0, %arg0 : i32
    %broadcast_in_dim3A = arith.constant 0.000000e+00 : f32
    %broadcast_in_dim3A_1 = vector.broadcast %broadcast_in_dim3A : f32 to vector<16xf32>
    %scan3A = arith.constant 0 : i32
    %scan3A_2 = arith.constant 0 : i32
    %scan3A_3 = arith.constant 640 : i32
    %scan3A_4 = arith.addi %scan3A_2, %scan3A_3 : i32
    %scan3A_5 = arith.constant 1 : i32
    scf.for %scan3A_17 = %scan3A_2 to %scan3A_4 step %scan3A_5  : i32 {
      %mul3A_18 = arith.constant 16 : i32
      %mul3A_19 = arith.muli %scan3A_17, %mul3A_18 : i32
      %swap3A = arith.index_cast %mul3A_19 : i32 to index
      %swap3A_20 = tpu.vector_load %arg5[%swap3A] {strides = array<i32>} : memref<10240xf32, #tpu.memory_space<vmem>>, vector<16xf32>,
      tpu.vector_store %arg5[%swap3A], %broadcast_in_dim3A_1 {strides = array<i32>} : memref<10240xf32, #tpu.memory_space<vmem>>, vector<16xf32>,
    }
    %scan3A_6 = arith.constant 640 : i32
    %mul3A_7 = arith.constant 10240 : i32
    %mul3A_8 = arith.muli %add3A, %mul3A_7 : i32
    "tpu.region"() ({
      %run_scoped3A = tpu.sem_alloc : memref<!tpu.dma_semaphore, #tpu.memory_space<semaphore_mem>>
      %dma_start3A = tpu.memref_slice %arg2[%mul3A_8] : memref<327680xi32, #tpu.memory_space<hbm>> -> memref<10240xi32, #tpu.memory_space<hbm>>
      %dma_start3A_17 = tpu.memref_slice %arg2[%mul3A_8] : memref<327680xi32, #tpu.memory_space<hbm>> -> memref<10240xi32, #tpu.memory_space<hbm>>
      tpu.enqueue_dma source(%dma_start3A_17 : memref<10240xi32, #tpu.memory_space<hbm>>) target(%arg4 : memref<10240xi32, #tpu.memory_space<vmem>>) target_semaphore(%run_scoped3A : memref<!tpu.dma_semaphore, #tpu.memory_space<semaphore_mem>>)
      %dma_wait3A = tpu.memref_slice %arg2[%mul3A_8] : memref<327680xi32, #tpu.memory_space<hbm>> -> memref<10240xi32, #tpu.memory_space<hbm>>
      %dma_wait3A_18 = tpu.memref_slice %arg2[%mul3A_8] : memref<327680xi32, #tpu.memory_space<hbm>> -> memref<10240xi32, #tpu.memory_space<hbm>>
      tpu.wait_dma2 semaphore(%run_scoped3A : memref<!tpu.dma_semaphore, #tpu.memory_space<semaphore_mem>>) src(%dma_wait3A_18 : memref<10240xi32, #tpu.memory_space<hbm>>) dst(%arg4 : memref<10240xi32, #tpu.memory_space<vmem>>)
      tpu.yield
    }) : () -> ()
    %broadcast_in_dim3A_9 = arith.constant 1.000000e+00 : f32
    %broadcast_in_dim3A_10 = vector.broadcast %broadcast_in_dim3A_9 : f32 to vector<16xf32>
    %scan3A_11 = arith.constant 0 : i32
    %scan3A_12 = arith.constant 0 : i32
    %scan3A_13 = arith.constant 640 : i32
    %scan3A_14 = arith.addi %scan3A_12, %scan3A_13 : i32
    %scan3A_15 = arith.constant 1 : i32
    scf.for %scan3A_17 = %scan3A_12 to %scan3A_14 step %scan3A_15  : i32 {
      %mul3A_18 = arith.constant 16 : i32
      %mul3A_19 = arith.muli %scan3A_17, %mul3A_18 : i32
      %get3A = arith.index_cast %mul3A_19 : i32 to index
      %get3A_20 = tpu.vector_load %arg4[%get3A] {strides = array<i32>} : memref<10240xi32, #tpu.memory_space<vmem>>, vector<16xi32>,
      tpu.vector_store_idx %arg5[%get3A_20], %broadcast_in_dim3A_10 {add = true} : memref<10240xf32, #tpu.memory_space<vmem>>[vector<16xi32>], vector<16xf32>,
    }
    %scan3A_16 = arith.constant 640 : i32
    "tpu.region"() ({
      %run_scoped3A = tpu.sem_alloc : memref<!tpu.dma_semaphore, #tpu.memory_space<semaphore_mem>>
      %dma_start3A = arith.constant 0 : i32
      %dma_start3A_17 = tpu.memref_slice %arg3[%add3A, %dma_start3A] : memref<32x10240xf32, #tpu.memory_space<hbm>> -> memref<1x10240xf32, #tpu.memory_space<hbm>>
      %dma_start3A_18 = tpu.memref_squeeze %dma_start3A_17 : memref<1x10240xf32, #tpu.memory_space<hbm>> -> memref<10240xf32, #tpu.memory_space<hbm>>
      %dma_start3A_19 = arith.constant 0 : i32
      %dma_start3A_20 = tpu.memref_slice %arg3[%add3A, %dma_start3A_19] : memref<32x10240xf32, #tpu.memory_space<hbm>> -> memref<1x10240xf32, #tpu.memory_space<hbm>>
      %dma_start3A_21 = tpu.memref_squeeze %dma_start3A_20 : memref<1x10240xf32, #tpu.memory_space<hbm>> -> memref<10240xf32, #tpu.memory_space<hbm>>
      tpu.enqueue_dma source(%arg5 : memref<10240xf32, #tpu.memory_space<vmem>>) target(%dma_start3A_21 : memref<10240xf32, #tpu.memory_space<hbm>>) target_semaphore(%run_scoped3A : memref<!tpu.dma_semaphore, #tpu.memory_space<semaphore_mem>>)
      %dma_wait3A = arith.constant 0 : i32
      %dma_wait3A_22 = tpu.memref_slice %arg3[%add3A, %dma_wait3A] : memref<32x10240xf32, #tpu.memory_space<hbm>> -> memref<1x10240xf32, #tpu.memory_space<hbm>>
      %dma_wait3A_23 = tpu.memref_squeeze %dma_wait3A_22 : memref<1x10240xf32, #tpu.memory_space<hbm>> -> memref<10240xf32, #tpu.memory_space<hbm>>
      %dma_wait3A_24 = arith.constant 0 : i32
      %dma_wait3A_25 = tpu.memref_slice %arg3[%add3A, %dma_wait3A_24] : memref<32x10240xf32, #tpu.memory_space<hbm>> -> memref<1x10240xf32, #tpu.memory_space<hbm>>
      %dma_wait3A_26 = tpu.memref_squeeze %dma_wait3A_25 : memref<1x10240xf32, #tpu.memory_space<hbm>> -> memref<10240xf32, #tpu.memory_space<hbm>>
      tpu.wait_dma2 semaphore(%run_scoped3A : memref<!tpu.dma_semaphore, #tpu.memory_space<semaphore_mem>>) src(%arg5 : memref<10240xf32, #tpu.memory_space<vmem>>) dst(%dma_wait3A_26 : memref<10240xf32, #tpu.memory_space<hbm>>)
      tpu.yield
    }) : () -> ()
    return
  }
}

#map = affine_map<(d0, d1) -> (0, 0, 0)>
#map1 = affine_map<(d0, d1) -> (0, 0)>
module attributes {stable_mosaic.version = 14 : i64} {
  func.func @_edge_kernel(%arg0: i32, %arg1: i32, %arg2: memref<32x80x128xi32, #tpu.memory_space<hbm>>, %arg3: memref<10240x128xf32, #tpu.memory_space<hbm>>, %arg4: memref<2x10240x128xf32, #tpu.memory_space<hbm>>, %arg5: memref<80x128xi32, #tpu.memory_space<vmem>>, %arg6: memref<2x128xi32, #tpu.memory_space<vmem>>, %arg7: memref<2x128xi32, #tpu.memory_space<vmem>>, %arg8: memref<128x128xf32, #tpu.memory_space<vmem>>, %arg9: memref<128x128xf32, #tpu.memory_space<vmem>>, %arg10: memref<10240x128xf32, #tpu.memory_space<vmem_shared>>, %arg11: memref<!tpu.dma_semaphore, #tpu.memory_space<semaphore_mem>>, %arg12: memref<!tpu.dma_semaphore, #tpu.memory_space<semaphore_mem>>) attributes {dimension_semantics = [#tpu.dimension_semantics<core_parallel>, #tpu.dimension_semantics<subcore_parallel>], iteration_bounds = array<i64: 2, 16>, scalar_prefetch = 0 : i64, scratch_operands = 8 : i64, tpu.core_type = #tpu.core_type<sc_vector_subcore>, window_params = [{transform_indices = #map}, {transform_indices = #map1}, {transform_indices = #map}]} {
    %mul3A = arith.constant 2 : i32
    %mul3A_0 = arith.muli %arg1, %mul3A : i32
    %add3A = arith.addi %mul3A_0, %arg0 : i32
    "tpu.region"() ({
      %run_scoped3A_364 = tpu.sem_alloc : memref<!tpu.dma_semaphore, #tpu.memory_space<semaphore_mem>>
      %dma_start3A_365 = arith.constant 0 : i32
      %dma_start3A_366 = arith.constant 0 : i32
      %dma_start3A_367 = tpu.memref_slice %arg2[%add3A, %dma_start3A_365, %dma_start3A_366] : memref<32x80x128xi32, #tpu.memory_space<hbm>> -> memref<1x80x128xi32, #tpu.memory_space<hbm>>
      %dma_start3A_368 = tpu.memref_squeeze %dma_start3A_367 : memref<1x80x128xi32, #tpu.memory_space<hbm>> -> memref<80x128xi32, #tpu.memory_space<hbm>>
      %dma_start3A_369 = arith.constant 0 : i32
      %dma_start3A_370 = arith.constant 0 : i32
      %dma_start3A_371 = tpu.memref_slice %arg2[%add3A, %dma_start3A_369, %dma_start3A_370] : memref<32x80x128xi32, #tpu.memory_space<hbm>> -> memref<1x80x128xi32, #tpu.memory_space<hbm>>
      %dma_start3A_372 = tpu.memref_squeeze %dma_start3A_371 : memref<1x80x128xi32, #tpu.memory_space<hbm>> -> memref<80x128xi32, #tpu.memory_space<hbm>>
      tpu.enqueue_dma source(%dma_start3A_372 : memref<80x128xi32, #tpu.memory_space<hbm>>) target(%arg5 : memref<80x128xi32, #tpu.memory_space<vmem>>) target_semaphore(%run_scoped3A_364 : memref<!tpu.dma_semaphore, #tpu.memory_space<semaphore_mem>>)
      %dma_wait3A_373 = arith.constant 0 : i32
      %dma_wait3A_374 = arith.constant 0 : i32
      %dma_wait3A_375 = tpu.memref_slice %arg2[%add3A, %dma_wait3A_373, %dma_wait3A_374] : memref<32x80x128xi32, #tpu.memory_space<hbm>> -> memref<1x80x128xi32, #tpu.memory_space<hbm>>
      %dma_wait3A_376 = tpu.memref_squeeze %dma_wait3A_375 : memref<1x80x128xi32, #tpu.memory_space<hbm>> -> memref<80x128xi32, #tpu.memory_space<hbm>>
      %dma_wait3A_377 = arith.constant 0 : i32
      %dma_wait3A_378 = arith.constant 0 : i32
      %dma_wait3A_379 = tpu.memref_slice %arg2[%add3A, %dma_wait3A_377, %dma_wait3A_378] : memref<32x80x128xi32, #tpu.memory_space<hbm>> -> memref<1x80x128xi32, #tpu.memory_space<hbm>>
      %dma_wait3A_380 = tpu.memref_squeeze %dma_wait3A_379 : memref<1x80x128xi32, #tpu.memory_space<hbm>> -> memref<80x128xi32, #tpu.memory_space<hbm>>
      tpu.wait_dma2 semaphore(%run_scoped3A_364 : memref<!tpu.dma_semaphore, #tpu.memory_space<semaphore_mem>>) src(%dma_wait3A_380 : memref<80x128xi32, #tpu.memory_space<hbm>>) dst(%arg5 : memref<80x128xi32, #tpu.memory_space<vmem>>)
      tpu.yield
    }) : () -> ()
    %broadcast_in_dim3A = arith.constant 0.000000e+00 : f32
    %broadcast_in_dim3A_1 = vector.broadcast %broadcast_in_dim3A : f32 to vector<16xf32>
    %scan3A = arith.constant 0 : i32
    %scan3A_2 = arith.constant 0 : i32
    %scan3A_3 = arith.constant 128 : i32
    %scan3A_4 = arith.addi %scan3A_2, %scan3A_3 : i32
    %scan3A_5 = arith.constant 1 : i32
    scf.for %scan3A_364 = %scan3A_2 to %scan3A_4 step %scan3A_5  : i32 {
      %swap3A_365 = arith.index_cast %scan3A_364 : i32 to index
      %swap3A_366 = arith.constant 0 : index
      %swap3A_367 = tpu.vector_load %arg8[%swap3A_365, %swap3A_366] {strides = array<i32>} : memref<128x128xf32, #tpu.memory_space<vmem>>, vector<16xf32>,
      tpu.vector_store %arg8[%swap3A_365, %swap3A_366], %broadcast_in_dim3A_1 {strides = array<i32>} : memref<128x128xf32, #tpu.memory_space<vmem>>, vector<16xf32>,
      %swap3A_368 = arith.index_cast %scan3A_364 : i32 to index
      %swap3A_369 = arith.constant 16 : index
      %swap3A_370 = tpu.vector_load %arg8[%swap3A_368, %swap3A_369] {strides = array<i32>} : memref<128x128xf32, #tpu.memory_space<vmem>>, vector<16xf32>,
      tpu.vector_store %arg8[%swap3A_368, %swap3A_369], %broadcast_in_dim3A_1 {strides = array<i32>} : memref<128x128xf32, #tpu.memory_space<vmem>>, vector<16xf32>,
      %swap3A_371 = arith.index_cast %scan3A_364 : i32 to index
      %swap3A_372 = arith.constant 32 : index
      %swap3A_373 = tpu.vector_load %arg8[%swap3A_371, %swap3A_372] {strides = array<i32>} : memref<128x128xf32, #tpu.memory_space<vmem>>, vector<16xf32>,
      tpu.vector_store %arg8[%swap3A_371, %swap3A_372], %broadcast_in_dim3A_1 {strides = array<i32>} : memref<128x128xf32, #tpu.memory_space<vmem>>, vector<16xf32>,
      %swap3A_374 = arith.index_cast %scan3A_364 : i32 to index
      %swap3A_375 = arith.constant 48 : index
      %swap3A_376 = tpu.vector_load %arg8[%swap3A_374, %swap3A_375] {strides = array<i32>} : memref<128x128xf32, #tpu.memory_space<vmem>>, vector<16xf32>,
      tpu.vector_store %arg8[%swap3A_374, %swap3A_375], %broadcast_in_dim3A_1 {strides = array<i32>} : memref<128x128xf32, #tpu.memory_space<vmem>>, vector<16xf32>,
      %swap3A_377 = arith.index_cast %scan3A_364 : i32 to index
      %swap3A_378 = arith.constant 64 : index
      %swap3A_379 = tpu.vector_load %arg8[%swap3A_377, %swap3A_378] {strides = array<i32>} : memref<128x128xf32, #tpu.memory_space<vmem>>, vector<16xf32>,
      tpu.vector_store %arg8[%swap3A_377, %swap3A_378], %broadcast_in_dim3A_1 {strides = array<i32>} : memref<128x128xf32, #tpu.memory_space<vmem>>, vector<16xf32>,
      %swap3A_380 = arith.index_cast %scan3A_364 : i32 to index
      %swap3A_381 = arith.constant 80 : index
      %swap3A_382 = tpu.vector_load %arg8[%swap3A_380, %swap3A_381] {strides = array<i32>} : memref<128x128xf32, #tpu.memory_space<vmem>>, vector<16xf32>,
      tpu.vector_store %arg8[%swap3A_380, %swap3A_381], %broadcast_in_dim3A_1 {strides = array<i32>} : memref<128x128xf32, #tpu.memory_space<vmem>>, vector<16xf32>,
      %swap3A_383 = arith.index_cast %scan3A_364 : i32 to index
      %swap3A_384 = arith.constant 96 : index
      %swap3A_385 = tpu.vector_load %arg8[%swap3A_383, %swap3A_384] {strides = array<i32>} : memref<128x128xf32, #tpu.memory_space<vmem>>, vector<16xf32>,
      tpu.vector_store %arg8[%swap3A_383, %swap3A_384], %broadcast_in_dim3A_1 {strides = array<i32>} : memref<128x128xf32, #tpu.memory_space<vmem>>, vector<16xf32>,
      %swap3A_386 = arith.index_cast %scan3A_364 : i32 to index
      %swap3A_387 = arith.constant 112 : index
      %swap3A_388 = tpu.vector_load %arg8[%swap3A_386, %swap3A_387] {strides = array<i32>} : memref<128x128xf32, #tpu.memory_space<vmem>>, vector<16xf32>,
      tpu.vector_store %arg8[%swap3A_386, %swap3A_387], %broadcast_in_dim3A_1 {strides = array<i32>} : memref<128x128xf32, #tpu.memory_space<vmem>>, vector<16xf32>,
    }
    %scan3A_6 = arith.constant 128 : i32
    %mul3A_7 = arith.constant 640 : i32
    %mul3A_8 = arith.muli %arg1, %mul3A_7 : i32
    %add3A_9 = arith.constant 0 : i32
    %add3A_10 = arith.addi %mul3A_8, %add3A_9 : i32
    %eq3A = arith.constant 0 : i32
    %eq3A_11 = arith.cmpi eq, %arg0, %eq3A : i32
    %convert_element_type3A = arith.extui %eq3A_11 : i1 to i32
    %cond3A = arith.constant 0 : i32
    %cond3A_12 = arith.cmpi ne, %convert_element_type3A, %cond3A : i32
    scf.if %cond3A_12 {
      "tpu.region"() ({
        %run_scoped3A_364 = tpu.sem_alloc : memref<!tpu.dma_semaphore, #tpu.memory_space<semaphore_mem>>
        %dma_start3A_365 = arith.constant 0 : i32
        %dma_start3A_366 = tpu.memref_slice %arg10[%add3A_10, %dma_start3A_365] : memref<10240x128xf32, #tpu.memory_space<vmem_shared>> -> memref<128x128xf32, #tpu.memory_space<vmem_shared>>
        %dma_start3A_367 = arith.constant 0 : i32
        %dma_start3A_368 = tpu.memref_slice %arg3[%add3A_10, %dma_start3A_367] : memref<10240x128xf32, #tpu.memory_space<hbm>> -> memref<128x128xf32, #tpu.memory_space<hbm>>
        tpu.enqueue_dma source(%dma_start3A_368 : memref<128x128xf32, #tpu.memory_space<hbm>>) target(%dma_start3A_366 : memref<128x128xf32, #tpu.memory_space<vmem_shared>>) target_semaphore(%run_scoped3A_364 : memref<!tpu.dma_semaphore, #tpu.memory_space<semaphore_mem>>)
        %dma_wait3A_369 = arith.constant 0 : i32
        %dma_wait3A_370 = tpu.memref_slice %arg10[%add3A_10, %dma_wait3A_369] : memref<10240x128xf32, #tpu.memory_space<vmem_shared>> -> memref<128x128xf32, #tpu.memory_space<vmem_shared>>
        %dma_wait3A_371 = arith.constant 0 : i32
        %dma_wait3A_372 = tpu.memref_slice %arg3[%add3A_10, %dma_wait3A_371] : memref<10240x128xf32, #tpu.memory_space<hbm>> -> memref<128x128xf32, #tpu.memory_space<hbm>>
        tpu.wait_dma2 semaphore(%run_scoped3A_364 : memref<!tpu.dma_semaphore, #tpu.memory_space<semaphore_mem>>) src(%dma_wait3A_372 : memref<128x128xf32, #tpu.memory_space<hbm>>) dst(%dma_wait3A_370 : memref<128x128xf32, #tpu.memory_space<vmem_shared>>)
        tpu.yield
      }) : () -> ()
    } else {
    }
    %eq3A_13 = arith.constant 1 : i32
    %eq3A_14 = arith.cmpi eq, %arg0, %eq3A_13 : i32
    %convert_element_type3A_15 = arith.extui %eq3A_14 : i1 to i32
    %cond3A_16 = arith.constant 0 : i32
    %cond3A_17 = arith.cmpi ne, %convert_element_type3A_15, %cond3A_16 : i32
    scf.if %cond3A_17 {
      "tpu.region"() ({
        %run_scoped3A_364 = tpu.sem_alloc : memref<!tpu.dma_semaphore, #tpu.memory_space<semaphore_mem>>
        %dma_start3A_365 = arith.constant 0 : i32
        %dma_start3A_366 = tpu.memref_slice %arg10[%add3A_10, %dma_start3A_365] : memref<10240x128xf32, #tpu.memory_space<vmem_shared>> -> memref<128x128xf32, #tpu.memory_space<vmem_shared>>
        %dma_start3A_367 = arith.constant 0 : i32
        %dma_start3A_368 = tpu.memref_slice %arg10[%add3A_10, %dma_start3A_367] : memref<10240x128xf32, #tpu.memory_space<vmem_shared>> -> memref<128x128xf32, #tpu.memory_space<vmem_shared>>
        tpu.enqueue_dma source(%arg8 : memref<128x128xf32, #tpu.memory_space<vmem>>) target(%dma_start3A_368 : memref<128x128xf32, #tpu.memory_space<vmem_shared>>) target_semaphore(%run_scoped3A_364 : memref<!tpu.dma_semaphore, #tpu.memory_space<semaphore_mem>>)
        %dma_wait3A_369 = arith.constant 0 : i32
        %dma_wait3A_370 = tpu.memref_slice %arg10[%add3A_10, %dma_wait3A_369] : memref<10240x128xf32, #tpu.memory_space<vmem_shared>> -> memref<128x128xf32, #tpu.memory_space<vmem_shared>>
        %dma_wait3A_371 = arith.constant 0 : i32
        %dma_wait3A_372 = tpu.memref_slice %arg10[%add3A_10, %dma_wait3A_371] : memref<10240x128xf32, #tpu.memory_space<vmem_shared>> -> memref<128x128xf32, #tpu.memory_space<vmem_shared>>
        tpu.wait_dma2 semaphore(%run_scoped3A_364 : memref<!tpu.dma_semaphore, #tpu.memory_space<semaphore_mem>>) src(%arg8 : memref<128x128xf32, #tpu.memory_space<vmem>>) dst(%dma_wait3A_372 : memref<128x128xf32, #tpu.memory_space<vmem_shared>>)
        tpu.yield
      }) : () -> ()
    } else {
    }
    %add3A_18 = arith.constant 128 : i32
    %add3A_19 = arith.addi %mul3A_8, %add3A_18 : i32
    %eq3A_20 = arith.constant 0 : i32
    %eq3A_21 = arith.cmpi eq, %arg0, %eq3A_20 : i32
    %convert_element_type3A_22 = arith.extui %eq3A_21 : i1 to i32
    %cond3A_23 = arith.constant 0 : i32
    %cond3A_24 = arith.cmpi ne, %convert_element_type3A_22, %cond3A_23 : i32
    scf.if %cond3A_24 {
      "tpu.region"() ({
        %run_scoped3A_364 = tpu.sem_alloc : memref<!tpu.dma_semaphore, #tpu.memory_space<semaphore_mem>>
        %dma_start3A_365 = arith.constant 0 : i32
        %dma_start3A_366 = tpu.memref_slice %arg10[%add3A_19, %dma_start3A_365] : memref<10240x128xf32, #tpu.memory_space<vmem_shared>> -> memref<128x128xf32, #tpu.memory_space<vmem_shared>>
        %dma_start3A_367 = arith.constant 0 : i32
        %dma_start3A_368 = tpu.memref_slice %arg3[%add3A_19, %dma_start3A_367] : memref<10240x128xf32, #tpu.memory_space<hbm>> -> memref<128x128xf32, #tpu.memory_space<hbm>>
        tpu.enqueue_dma source(%dma_start3A_368 : memref<128x128xf32, #tpu.memory_space<hbm>>) target(%dma_start3A_366 : memref<128x128xf32, #tpu.memory_space<vmem_shared>>) target_semaphore(%run_scoped3A_364 : memref<!tpu.dma_semaphore, #tpu.memory_space<semaphore_mem>>)
        %dma_wait3A_369 = arith.constant 0 : i32
        %dma_wait3A_370 = tpu.memref_slice %arg10[%add3A_19, %dma_wait3A_369] : memref<10240x128xf32, #tpu.memory_space<vmem_shared>> -> memref<128x128xf32, #tpu.memory_space<vmem_shared>>
        %dma_wait3A_371 = arith.constant 0 : i32
        %dma_wait3A_372 = tpu.memref_slice %arg3[%add3A_19, %dma_wait3A_371] : memref<10240x128xf32, #tpu.memory_space<hbm>> -> memref<128x128xf32, #tpu.memory_space<hbm>>
        tpu.wait_dma2 semaphore(%run_scoped3A_364 : memref<!tpu.dma_semaphore, #tpu.memory_space<semaphore_mem>>) src(%dma_wait3A_372 : memref<128x128xf32, #tpu.memory_space<hbm>>) dst(%dma_wait3A_370 : memref<128x128xf32, #tpu.memory_space<vmem_shared>>)
        tpu.yield
      }) : () -> ()
    } else {
    }
    %eq3A_25 = arith.constant 1 : i32
    %eq3A_26 = arith.cmpi eq, %arg0, %eq3A_25 : i32
    %convert_element_type3A_27 = arith.extui %eq3A_26 : i1 to i32
    %cond3A_28 = arith.constant 0 : i32
    %cond3A_29 = arith.cmpi ne, %convert_element_type3A_27, %cond3A_28 : i32
    scf.if %cond3A_29 {
      "tpu.region"() ({
        %run_scoped3A_364 = tpu.sem_alloc : memref<!tpu.dma_semaphore, #tpu.memory_space<semaphore_mem>>
        %dma_start3A_365 = arith.constant 0 : i32
        %dma_start3A_366 = tpu.memref_slice %arg10[%add3A_19, %dma_start3A_365] : memref<10240x128xf32, #tpu.memory_space<vmem_shared>> -> memref<128x128xf32, #tpu.memory_space<vmem_shared>>
        %dma_start3A_367 = arith.constant 0 : i32
        %dma_start3A_368 = tpu.memref_slice %arg10[%add3A_19, %dma_start3A_367] : memref<10240x128xf32, #tpu.memory_space<vmem_shared>> -> memref<128x128xf32, #tpu.memory_space<vmem_shared>>
        tpu.enqueue_dma source(%arg8 : memref<128x128xf32, #tpu.memory_space<vmem>>) target(%dma_start3A_368 : memref<128x128xf32, #tpu.memory_space<vmem_shared>>) target_semaphore(%run_scoped3A_364 : memref<!tpu.dma_semaphore, #tpu.memory_space<semaphore_mem>>)
        %dma_wait3A_369 = arith.constant 0 : i32
        %dma_wait3A_370 = tpu.memref_slice %arg10[%add3A_19, %dma_wait3A_369] : memref<10240x128xf32, #tpu.memory_space<vmem_shared>> -> memref<128x128xf32, #tpu.memory_space<vmem_shared>>
        %dma_wait3A_371 = arith.constant 0 : i32
        %dma_wait3A_372 = tpu.memref_slice %arg10[%add3A_19, %dma_wait3A_371] : memref<10240x128xf32, #tpu.memory_space<vmem_shared>> -> memref<128x128xf32, #tpu.memory_space<vmem_shared>>
        tpu.wait_dma2 semaphore(%run_scoped3A_364 : memref<!tpu.dma_semaphore, #tpu.memory_space<semaphore_mem>>) src(%arg8 : memref<128x128xf32, #tpu.memory_space<vmem>>) dst(%dma_wait3A_372 : memref<128x128xf32, #tpu.memory_space<vmem_shared>>)
        tpu.yield
      }) : () -> ()
    } else {
    }
    %add3A_30 = arith.constant 256 : i32
    %add3A_31 = arith.addi %mul3A_8, %add3A_30 : i32
    %eq3A_32 = arith.constant 0 : i32
    %eq3A_33 = arith.cmpi eq, %arg0, %eq3A_32 : i32
    %convert_element_type3A_34 = arith.extui %eq3A_33 : i1 to i32
    %cond3A_35 = arith.constant 0 : i32
    %cond3A_36 = arith.cmpi ne, %convert_element_type3A_34, %cond3A_35 : i32
    scf.if %cond3A_36 {
      "tpu.region"() ({
        %run_scoped3A_364 = tpu.sem_alloc : memref<!tpu.dma_semaphore, #tpu.memory_space<semaphore_mem>>
        %dma_start3A_365 = arith.constant 0 : i32
        %dma_start3A_366 = tpu.memref_slice %arg10[%add3A_31, %dma_start3A_365] : memref<10240x128xf32, #tpu.memory_space<vmem_shared>> -> memref<128x128xf32, #tpu.memory_space<vmem_shared>>
        %dma_start3A_367 = arith.constant 0 : i32
        %dma_start3A_368 = tpu.memref_slice %arg3[%add3A_31, %dma_start3A_367] : memref<10240x128xf32, #tpu.memory_space<hbm>> -> memref<128x128xf32, #tpu.memory_space<hbm>>
        tpu.enqueue_dma source(%dma_start3A_368 : memref<128x128xf32, #tpu.memory_space<hbm>>) target(%dma_start3A_366 : memref<128x128xf32, #tpu.memory_space<vmem_shared>>) target_semaphore(%run_scoped3A_364 : memref<!tpu.dma_semaphore, #tpu.memory_space<semaphore_mem>>)
        %dma_wait3A_369 = arith.constant 0 : i32
        %dma_wait3A_370 = tpu.memref_slice %arg10[%add3A_31, %dma_wait3A_369] : memref<10240x128xf32, #tpu.memory_space<vmem_shared>> -> memref<128x128xf32, #tpu.memory_space<vmem_shared>>
        %dma_wait3A_371 = arith.constant 0 : i32
        %dma_wait3A_372 = tpu.memref_slice %arg3[%add3A_31, %dma_wait3A_371] : memref<10240x128xf32, #tpu.memory_space<hbm>> -> memref<128x128xf32, #tpu.memory_space<hbm>>
        tpu.wait_dma2 semaphore(%run_scoped3A_364 : memref<!tpu.dma_semaphore, #tpu.memory_space<semaphore_mem>>) src(%dma_wait3A_372 : memref<128x128xf32, #tpu.memory_space<hbm>>) dst(%dma_wait3A_370 : memref<128x128xf32, #tpu.memory_space<vmem_shared>>)
        tpu.yield
      }) : () -> ()
    } else {
    }
    %eq3A_37 = arith.constant 1 : i32
    %eq3A_38 = arith.cmpi eq, %arg0, %eq3A_37 : i32
    %convert_element_type3A_39 = arith.extui %eq3A_38 : i1 to i32
    %cond3A_40 = arith.constant 0 : i32
    %cond3A_41 = arith.cmpi ne, %convert_element_type3A_39, %cond3A_40 : i32
    scf.if %cond3A_41 {
      "tpu.region"() ({
        %run_scoped3A_364 = tpu.sem_alloc : memref<!tpu.dma_semaphore, #tpu.memory_space<semaphore_mem>>
        %dma_start3A_365 = arith.constant 0 : i32
        %dma_start3A_366 = tpu.memref_slice %arg10[%add3A_31, %dma_start3A_365] : memref<10240x128xf32, #tpu.memory_space<vmem_shared>> -> memref<128x128xf32, #tpu.memory_space<vmem_shared>>
        %dma_start3A_367 = arith.constant 0 : i32
        %dma_start3A_368 = tpu.memref_slice %arg10[%add3A_31, %dma_start3A_367] : memref<10240x128xf32, #tpu.memory_space<vmem_shared>> -> memref<128x128xf32, #tpu.memory_space<vmem_shared>>
        tpu.enqueue_dma source(%arg8 : memref<128x128xf32, #tpu.memory_space<vmem>>) target(%dma_start3A_368 : memref<128x128xf32, #tpu.memory_space<vmem_shared>>) target_semaphore(%run_scoped3A_364 : memref<!tpu.dma_semaphore, #tpu.memory_space<semaphore_mem>>)
        %dma_wait3A_369 = arith.constant 0 : i32
        %dma_wait3A_370 = tpu.memref_slice %arg10[%add3A_31, %dma_wait3A_369] : memref<10240x128xf32, #tpu.memory_space<vmem_shared>> -> memref<128x128xf32, #tpu.memory_space<vmem_shared>>
        %dma_wait3A_371 = arith.constant 0 : i32
        %dma_wait3A_372 = tpu.memref_slice %arg10[%add3A_31, %dma_wait3A_371] : memref<10240x128xf32, #tpu.memory_space<vmem_shared>> -> memref<128x128xf32, #tpu.memory_space<vmem_shared>>
        tpu.wait_dma2 semaphore(%run_scoped3A_364 : memref<!tpu.dma_semaphore, #tpu.memory_space<semaphore_mem>>) src(%arg8 : memref<128x128xf32, #tpu.memory_space<vmem>>) dst(%dma_wait3A_372 : memref<128x128xf32, #tpu.memory_space<vmem_shared>>)
        tpu.yield
      }) : () -> ()
    } else {
    }
    %add3A_42 = arith.constant 384 : i32
    %add3A_43 = arith.addi %mul3A_8, %add3A_42 : i32
    %eq3A_44 = arith.constant 0 : i32
    %eq3A_45 = arith.cmpi eq, %arg0, %eq3A_44 : i32
    %convert_element_type3A_46 = arith.extui %eq3A_45 : i1 to i32
    %cond3A_47 = arith.constant 0 : i32
    %cond3A_48 = arith.cmpi ne, %convert_element_type3A_46, %cond3A_47 : i32
    scf.if %cond3A_48 {
      "tpu.region"() ({
        %run_scoped3A_364 = tpu.sem_alloc : memref<!tpu.dma_semaphore, #tpu.memory_space<semaphore_mem>>
        %dma_start3A_365 = arith.constant 0 : i32
        %dma_start3A_366 = tpu.memref_slice %arg10[%add3A_43, %dma_start3A_365] : memref<10240x128xf32, #tpu.memory_space<vmem_shared>> -> memref<128x128xf32, #tpu.memory_space<vmem_shared>>
        %dma_start3A_367 = arith.constant 0 : i32
        %dma_start3A_368 = tpu.memref_slice %arg3[%add3A_43, %dma_start3A_367] : memref<10240x128xf32, #tpu.memory_space<hbm>> -> memref<128x128xf32, #tpu.memory_space<hbm>>
        tpu.enqueue_dma source(%dma_start3A_368 : memref<128x128xf32, #tpu.memory_space<hbm>>) target(%dma_start3A_366 : memref<128x128xf32, #tpu.memory_space<vmem_shared>>) target_semaphore(%run_scoped3A_364 : memref<!tpu.dma_semaphore, #tpu.memory_space<semaphore_mem>>)
        %dma_wait3A_369 = arith.constant 0 : i32
        %dma_wait3A_370 = tpu.memref_slice %arg10[%add3A_43, %dma_wait3A_369] : memref<10240x128xf32, #tpu.memory_space<vmem_shared>> -> memref<128x128xf32, #tpu.memory_space<vmem_shared>>
        %dma_wait3A_371 = arith.constant 0 : i32
        %dma_wait3A_372 = tpu.memref_slice %arg3[%add3A_43, %dma_wait3A_371] : memref<10240x128xf32, #tpu.memory_space<hbm>> -> memref<128x128xf32, #tpu.memory_space<hbm>>
        tpu.wait_dma2 semaphore(%run_scoped3A_364 : memref<!tpu.dma_semaphore, #tpu.memory_space<semaphore_mem>>) src(%dma_wait3A_372 : memref<128x128xf32, #tpu.memory_space<hbm>>) dst(%dma_wait3A_370 : memref<128x128xf32, #tpu.memory_space<vmem_shared>>)
        tpu.yield
      }) : () -> ()
    } else {
    }
    %eq3A_49 = arith.constant 1 : i32
    %eq3A_50 = arith.cmpi eq, %arg0, %eq3A_49 : i32
    %convert_element_type3A_51 = arith.extui %eq3A_50 : i1 to i32
    %cond3A_52 = arith.constant 0 : i32
    %cond3A_53 = arith.cmpi ne, %convert_element_type3A_51, %cond3A_52 : i32
    scf.if %cond3A_53 {
      "tpu.region"() ({
        %run_scoped3A_364 = tpu.sem_alloc : memref<!tpu.dma_semaphore, #tpu.memory_space<semaphore_mem>>
        %dma_start3A_365 = arith.constant 0 : i32
        %dma_start3A_366 = tpu.memref_slice %arg10[%add3A_43, %dma_start3A_365] : memref<10240x128xf32, #tpu.memory_space<vmem_shared>> -> memref<128x128xf32, #tpu.memory_space<vmem_shared>>
        %dma_start3A_367 = arith.constant 0 : i32
        %dma_start3A_368 = tpu.memref_slice %arg10[%add3A_43, %dma_start3A_367] : memref<10240x128xf32, #tpu.memory_space<vmem_shared>> -> memref<128x128xf32, #tpu.memory_space<vmem_shared>>
        tpu.enqueue_dma source(%arg8 : memref<128x128xf32, #tpu.memory_space<vmem>>) target(%dma_start3A_368 : memref<128x128xf32, #tpu.memory_space<vmem_shared>>) target_semaphore(%run_scoped3A_364 : memref<!tpu.dma_semaphore, #tpu.memory_space<semaphore_mem>>)
        %dma_wait3A_369 = arith.constant 0 : i32
        %dma_wait3A_370 = tpu.memref_slice %arg10[%add3A_43, %dma_wait3A_369] : memref<10240x128xf32, #tpu.memory_space<vmem_shared>> -> memref<128x128xf32, #tpu.memory_space<vmem_shared>>
        %dma_wait3A_371 = arith.constant 0 : i32
        %dma_wait3A_372 = tpu.memref_slice %arg10[%add3A_43, %dma_wait3A_371] : memref<10240x128xf32, #tpu.memory_space<vmem_shared>> -> memref<128x128xf32, #tpu.memory_space<vmem_shared>>
        tpu.wait_dma2 semaphore(%run_scoped3A_364 : memref<!tpu.dma_semaphore, #tpu.memory_space<semaphore_mem>>) src(%arg8 : memref<128x128xf32, #tpu.memory_space<vmem>>) dst(%dma_wait3A_372 : memref<128x128xf32, #tpu.memory_space<vmem_shared>>)
        tpu.yield
      }) : () -> ()
    } else {
    }
    %add3A_54 = arith.constant 512 : i32
    %add3A_55 = arith.addi %mul3A_8, %add3A_54 : i32
    %eq3A_56 = arith.constant 0 : i32
    %eq3A_57 = arith.cmpi eq, %arg0, %eq3A_56 : i32
    %convert_element_type3A_58 = arith.extui %eq3A_57 : i1 to i32
    %cond3A_59 = arith.constant 0 : i32
    %cond3A_60 = arith.cmpi ne, %convert_element_type3A_58, %cond3A_59 : i32
    scf.if %cond3A_60 {
      "tpu.region"() ({
        %run_scoped3A_364 = tpu.sem_alloc : memref<!tpu.dma_semaphore, #tpu.memory_space<semaphore_mem>>
        %dma_start3A_365 = arith.constant 0 : i32
        %dma_start3A_366 = tpu.memref_slice %arg10[%add3A_55, %dma_start3A_365] : memref<10240x128xf32, #tpu.memory_space<vmem_shared>> -> memref<128x128xf32, #tpu.memory_space<vmem_shared>>
        %dma_start3A_367 = arith.constant 0 : i32
        %dma_start3A_368 = tpu.memref_slice %arg3[%add3A_55, %dma_start3A_367] : memref<10240x128xf32, #tpu.memory_space<hbm>> -> memref<128x128xf32, #tpu.memory_space<hbm>>
        tpu.enqueue_dma source(%dma_start3A_368 : memref<128x128xf32, #tpu.memory_space<hbm>>) target(%dma_start3A_366 : memref<128x128xf32, #tpu.memory_space<vmem_shared>>) target_semaphore(%run_scoped3A_364 : memref<!tpu.dma_semaphore, #tpu.memory_space<semaphore_mem>>)
        %dma_wait3A_369 = arith.constant 0 : i32
        %dma_wait3A_370 = tpu.memref_slice %arg10[%add3A_55, %dma_wait3A_369] : memref<10240x128xf32, #tpu.memory_space<vmem_shared>> -> memref<128x128xf32, #tpu.memory_space<vmem_shared>>
        %dma_wait3A_371 = arith.constant 0 : i32
        %dma_wait3A_372 = tpu.memref_slice %arg3[%add3A_55, %dma_wait3A_371] : memref<10240x128xf32, #tpu.memory_space<hbm>> -> memref<128x128xf32, #tpu.memory_space<hbm>>
        tpu.wait_dma2 semaphore(%run_scoped3A_364 : memref<!tpu.dma_semaphore, #tpu.memory_space<semaphore_mem>>) src(%dma_wait3A_372 : memref<128x128xf32, #tpu.memory_space<hbm>>) dst(%dma_wait3A_370 : memref<128x128xf32, #tpu.memory_space<vmem_shared>>)
        tpu.yield
      }) : () -> ()
    } else {
    }
    %eq3A_61 = arith.constant 1 : i32
    %eq3A_62 = arith.cmpi eq, %arg0, %eq3A_61 : i32
    %convert_element_type3A_63 = arith.extui %eq3A_62 : i1 to i32
    %cond3A_64 = arith.constant 0 : i32
    %cond3A_65 = arith.cmpi ne, %convert_element_type3A_63, %cond3A_64 : i32
    scf.if %cond3A_65 {
      "tpu.region"() ({
        %run_scoped3A_364 = tpu.sem_alloc : memref<!tpu.dma_semaphore, #tpu.memory_space<semaphore_mem>>
        %dma_start3A_365 = arith.constant 0 : i32
        %dma_start3A_366 = tpu.memref_slice %arg10[%add3A_55, %dma_start3A_365] : memref<10240x128xf32, #tpu.memory_space<vmem_shared>> -> memref<128x128xf32, #tpu.memory_space<vmem_shared>>
        %dma_start3A_367 = arith.constant 0 : i32
        %dma_start3A_368 = tpu.memref_slice %arg10[%add3A_55, %dma_start3A_367] : memref<10240x128xf32, #tpu.memory_space<vmem_shared>> -> memref<128x128xf32, #tpu.memory_space<vmem_shared>>
        tpu.enqueue_dma source(%arg8 : memref<128x128xf32, #tpu.memory_space<vmem>>) target(%dma_start3A_368 : memref<128x128xf32, #tpu.memory_space<vmem_shared>>) target_semaphore(%run_scoped3A_364 : memref<!tpu.dma_semaphore, #tpu.memory_space<semaphore_mem>>)
        %dma_wait3A_369 = arith.constant 0 : i32
        %dma_wait3A_370 = tpu.memref_slice %arg10[%add3A_55, %dma_wait3A_369] : memref<10240x128xf32, #tpu.memory_space<vmem_shared>> -> memref<128x128xf32, #tpu.memory_space<vmem_shared>>
        %dma_wait3A_371 = arith.constant 0 : i32
        %dma_wait3A_372 = tpu.memref_slice %arg10[%add3A_55, %dma_wait3A_371] : memref<10240x128xf32, #tpu.memory_space<vmem_shared>> -> memref<128x128xf32, #tpu.memory_space<vmem_shared>>
        tpu.wait_dma2 semaphore(%run_scoped3A_364 : memref<!tpu.dma_semaphore, #tpu.memory_space<semaphore_mem>>) src(%arg8 : memref<128x128xf32, #tpu.memory_space<vmem>>) dst(%dma_wait3A_372 : memref<128x128xf32, #tpu.memory_space<vmem_shared>>)
        tpu.yield
      }) : () -> ()
    } else {
    }
    %broadcast_in_dim3A_66 = arith.constant 16383 : i32
    %broadcast_in_dim3A_67 = vector.broadcast %broadcast_in_dim3A_66 : i32 to vector<16xi32>
    %get3A = arith.constant 0 : i32
    %get3A_68 = arith.index_cast %get3A : i32 to index
    %get3A_69 = arith.constant 0 : index
    %get3A_70 = tpu.vector_load %arg5[%get3A_68, %get3A_69] {strides = array<i32>} : memref<80x128xi32, #tpu.memory_space<vmem>>, vector<16xi32>,
    %shift_right_logical3A = arith.constant 14 : i32
    %shift_right_logical3A_71 = vector.broadcast %shift_right_logical3A : i32 to vector<16xi32>
    %shift_right_logical3A_72 = arith.shrui %get3A_70, %shift_right_logical3A_71 : vector<16xi32>
    %swap3A = arith.constant 0 : i32
    %swap3A_73 = arith.index_cast %swap3A : i32 to index
    %swap3A_74 = arith.constant 0 : index
    %swap3A_75 = tpu.vector_load %arg6[%swap3A_73, %swap3A_74] {strides = array<i32>} : memref<2x128xi32, #tpu.memory_space<vmem>>, vector<16xi32>,
    tpu.vector_store %arg6[%swap3A_73, %swap3A_74], %shift_right_logical3A_72 {strides = array<i32>} : memref<2x128xi32, #tpu.memory_space<vmem>>, vector<16xi32>,
    %and3A = arith.andi %get3A_70, %broadcast_in_dim3A_67 : vector<16xi32>
    %swap3A_76 = arith.constant 0 : i32
    %swap3A_77 = arith.index_cast %swap3A_76 : i32 to index
    %swap3A_78 = arith.constant 0 : index
    %swap3A_79 = tpu.vector_load %arg7[%swap3A_77, %swap3A_78] {strides = array<i32>} : memref<2x128xi32, #tpu.memory_space<vmem>>, vector<16xi32>,
    tpu.vector_store %arg7[%swap3A_77, %swap3A_78], %and3A {strides = array<i32>} : memref<2x128xi32, #tpu.memory_space<vmem>>, vector<16xi32>,
    %get3A_80 = arith.constant 0 : i32
    %get3A_81 = arith.index_cast %get3A_80 : i32 to index
    %get3A_82 = arith.constant 16 : index
    %get3A_83 = tpu.vector_load %arg5[%get3A_81, %get3A_82] {strides = array<i32>} : memref<80x128xi32, #tpu.memory_space<vmem>>, vector<16xi32>,
    %shift_right_logical3A_84 = arith.constant 14 : i32
    %shift_right_logical3A_85 = vector.broadcast %shift_right_logical3A_84 : i32 to vector<16xi32>
    %shift_right_logical3A_86 = arith.shrui %get3A_83, %shift_right_logical3A_85 : vector<16xi32>
    %swap3A_87 = arith.constant 0 : i32
    %swap3A_88 = arith.index_cast %swap3A_87 : i32 to index
    %swap3A_89 = arith.constant 16 : index
    %swap3A_90 = tpu.vector_load %arg6[%swap3A_88, %swap3A_89] {strides = array<i32>} : memref<2x128xi32, #tpu.memory_space<vmem>>, vector<16xi32>,
    tpu.vector_store %arg6[%swap3A_88, %swap3A_89], %shift_right_logical3A_86 {strides = array<i32>} : memref<2x128xi32, #tpu.memory_space<vmem>>, vector<16xi32>,
    %and3A_91 = arith.andi %get3A_83, %broadcast_in_dim3A_67 : vector<16xi32>
    %swap3A_92 = arith.constant 0 : i32
    %swap3A_93 = arith.index_cast %swap3A_92 : i32 to index
    %swap3A_94 = arith.constant 16 : index
    %swap3A_95 = tpu.vector_load %arg7[%swap3A_93, %swap3A_94] {strides = array<i32>} : memref<2x128xi32, #tpu.memory_space<vmem>>, vector<16xi32>,
    tpu.vector_store %arg7[%swap3A_93, %swap3A_94], %and3A_91 {strides = array<i32>} : memref<2x128xi32, #tpu.memory_space<vmem>>, vector<16xi32>,
    %get3A_96 = arith.constant 0 : i32
    %get3A_97 = arith.index_cast %get3A_96 : i32 to index
    %get3A_98 = arith.constant 32 : index
    %get3A_99 = tpu.vector_load %arg5[%get3A_97, %get3A_98] {strides = array<i32>} : memref<80x128xi32, #tpu.memory_space<vmem>>, vector<16xi32>,
    %shift_right_logical3A_100 = arith.constant 14 : i32
    %shift_right_logical3A_101 = vector.broadcast %shift_right_logical3A_100 : i32 to vector<16xi32>
    %shift_right_logical3A_102 = arith.shrui %get3A_99, %shift_right_logical3A_101 : vector<16xi32>
    %swap3A_103 = arith.constant 0 : i32
    %swap3A_104 = arith.index_cast %swap3A_103 : i32 to index
    %swap3A_105 = arith.constant 32 : index
    %swap3A_106 = tpu.vector_load %arg6[%swap3A_104, %swap3A_105] {strides = array<i32>} : memref<2x128xi32, #tpu.memory_space<vmem>>, vector<16xi32>,
    tpu.vector_store %arg6[%swap3A_104, %swap3A_105], %shift_right_logical3A_102 {strides = array<i32>} : memref<2x128xi32, #tpu.memory_space<vmem>>, vector<16xi32>,
    %and3A_107 = arith.andi %get3A_99, %broadcast_in_dim3A_67 : vector<16xi32>
    %swap3A_108 = arith.constant 0 : i32
    %swap3A_109 = arith.index_cast %swap3A_108 : i32 to index
    %swap3A_110 = arith.constant 32 : index
    %swap3A_111 = tpu.vector_load %arg7[%swap3A_109, %swap3A_110] {strides = array<i32>} : memref<2x128xi32, #tpu.memory_space<vmem>>, vector<16xi32>,
    tpu.vector_store %arg7[%swap3A_109, %swap3A_110], %and3A_107 {strides = array<i32>} : memref<2x128xi32, #tpu.memory_space<vmem>>, vector<16xi32>,
    %get3A_112 = arith.constant 0 : i32
    %get3A_113 = arith.index_cast %get3A_112 : i32 to index
    %get3A_114 = arith.constant 48 : index
    %get3A_115 = tpu.vector_load %arg5[%get3A_113, %get3A_114] {strides = array<i32>} : memref<80x128xi32, #tpu.memory_space<vmem>>, vector<16xi32>,
    %shift_right_logical3A_116 = arith.constant 14 : i32
    %shift_right_logical3A_117 = vector.broadcast %shift_right_logical3A_116 : i32 to vector<16xi32>
    %shift_right_logical3A_118 = arith.shrui %get3A_115, %shift_right_logical3A_117 : vector<16xi32>
    %swap3A_119 = arith.constant 0 : i32
    %swap3A_120 = arith.index_cast %swap3A_119 : i32 to index
    %swap3A_121 = arith.constant 48 : index
    %swap3A_122 = tpu.vector_load %arg6[%swap3A_120, %swap3A_121] {strides = array<i32>} : memref<2x128xi32, #tpu.memory_space<vmem>>, vector<16xi32>,
    tpu.vector_store %arg6[%swap3A_120, %swap3A_121], %shift_right_logical3A_118 {strides = array<i32>} : memref<2x128xi32, #tpu.memory_space<vmem>>, vector<16xi32>,
    %and3A_123 = arith.andi %get3A_115, %broadcast_in_dim3A_67 : vector<16xi32>
    %swap3A_124 = arith.constant 0 : i32
    %swap3A_125 = arith.index_cast %swap3A_124 : i32 to index
    %swap3A_126 = arith.constant 48 : index
    %swap3A_127 = tpu.vector_load %arg7[%swap3A_125, %swap3A_126] {strides = array<i32>} : memref<2x128xi32, #tpu.memory_space<vmem>>, vector<16xi32>,
    tpu.vector_store %arg7[%swap3A_125, %swap3A_126], %and3A_123 {strides = array<i32>} : memref<2x128xi32, #tpu.memory_space<vmem>>, vector<16xi32>,
    %get3A_128 = arith.constant 0 : i32
    %get3A_129 = arith.index_cast %get3A_128 : i32 to index
    %get3A_130 = arith.constant 64 : index
    %get3A_131 = tpu.vector_load %arg5[%get3A_129, %get3A_130] {strides = array<i32>} : memref<80x128xi32, #tpu.memory_space<vmem>>, vector<16xi32>,
    %shift_right_logical3A_132 = arith.constant 14 : i32
    %shift_right_logical3A_133 = vector.broadcast %shift_right_logical3A_132 : i32 to vector<16xi32>
    %shift_right_logical3A_134 = arith.shrui %get3A_131, %shift_right_logical3A_133 : vector<16xi32>
    %swap3A_135 = arith.constant 0 : i32
    %swap3A_136 = arith.index_cast %swap3A_135 : i32 to index
    %swap3A_137 = arith.constant 64 : index
    %swap3A_138 = tpu.vector_load %arg6[%swap3A_136, %swap3A_137] {strides = array<i32>} : memref<2x128xi32, #tpu.memory_space<vmem>>, vector<16xi32>,
    tpu.vector_store %arg6[%swap3A_136, %swap3A_137], %shift_right_logical3A_134 {strides = array<i32>} : memref<2x128xi32, #tpu.memory_space<vmem>>, vector<16xi32>,
    %and3A_139 = arith.andi %get3A_131, %broadcast_in_dim3A_67 : vector<16xi32>
    %swap3A_140 = arith.constant 0 : i32
    %swap3A_141 = arith.index_cast %swap3A_140 : i32 to index
    %swap3A_142 = arith.constant 64 : index
    %swap3A_143 = tpu.vector_load %arg7[%swap3A_141, %swap3A_142] {strides = array<i32>} : memref<2x128xi32, #tpu.memory_space<vmem>>, vector<16xi32>,
    tpu.vector_store %arg7[%swap3A_141, %swap3A_142], %and3A_139 {strides = array<i32>} : memref<2x128xi32, #tpu.memory_space<vmem>>, vector<16xi32>,
    %get3A_144 = arith.constant 0 : i32
    %get3A_145 = arith.index_cast %get3A_144 : i32 to index
    %get3A_146 = arith.constant 80 : index
    %get3A_147 = tpu.vector_load %arg5[%get3A_145, %get3A_146] {strides = array<i32>} : memref<80x128xi32, #tpu.memory_space<vmem>>, vector<16xi32>,
    %shift_right_logical3A_148 = arith.constant 14 : i32
    %shift_right_logical3A_149 = vector.broadcast %shift_right_logical3A_148 : i32 to vector<16xi32>
    %shift_right_logical3A_150 = arith.shrui %get3A_147, %shift_right_logical3A_149 : vector<16xi32>
    %swap3A_151 = arith.constant 0 : i32
    %swap3A_152 = arith.index_cast %swap3A_151 : i32 to index
    %swap3A_153 = arith.constant 80 : index
    %swap3A_154 = tpu.vector_load %arg6[%swap3A_152, %swap3A_153] {strides = array<i32>} : memref<2x128xi32, #tpu.memory_space<vmem>>, vector<16xi32>,
    tpu.vector_store %arg6[%swap3A_152, %swap3A_153], %shift_right_logical3A_150 {strides = array<i32>} : memref<2x128xi32, #tpu.memory_space<vmem>>, vector<16xi32>,
    %and3A_155 = arith.andi %get3A_147, %broadcast_in_dim3A_67 : vector<16xi32>
    %swap3A_156 = arith.constant 0 : i32
    %swap3A_157 = arith.index_cast %swap3A_156 : i32 to index
    %swap3A_158 = arith.constant 80 : index
    %swap3A_159 = tpu.vector_load %arg7[%swap3A_157, %swap3A_158] {strides = array<i32>} : memref<2x128xi32, #tpu.memory_space<vmem>>, vector<16xi32>,
    tpu.vector_store %arg7[%swap3A_157, %swap3A_158], %and3A_155 {strides = array<i32>} : memref<2x128xi32, #tpu.memory_space<vmem>>, vector<16xi32>,
    %get3A_160 = arith.constant 0 : i32
    %get3A_161 = arith.index_cast %get3A_160 : i32 to index
    %get3A_162 = arith.constant 96 : index
    %get3A_163 = tpu.vector_load %arg5[%get3A_161, %get3A_162] {strides = array<i32>} : memref<80x128xi32, #tpu.memory_space<vmem>>, vector<16xi32>,
    %shift_right_logical3A_164 = arith.constant 14 : i32
    %shift_right_logical3A_165 = vector.broadcast %shift_right_logical3A_164 : i32 to vector<16xi32>
    %shift_right_logical3A_166 = arith.shrui %get3A_163, %shift_right_logical3A_165 : vector<16xi32>
    %swap3A_167 = arith.constant 0 : i32
    %swap3A_168 = arith.index_cast %swap3A_167 : i32 to index
    %swap3A_169 = arith.constant 96 : index
    %swap3A_170 = tpu.vector_load %arg6[%swap3A_168, %swap3A_169] {strides = array<i32>} : memref<2x128xi32, #tpu.memory_space<vmem>>, vector<16xi32>,
    tpu.vector_store %arg6[%swap3A_168, %swap3A_169], %shift_right_logical3A_166 {strides = array<i32>} : memref<2x128xi32, #tpu.memory_space<vmem>>, vector<16xi32>,
    %and3A_171 = arith.andi %get3A_163, %broadcast_in_dim3A_67 : vector<16xi32>
    %swap3A_172 = arith.constant 0 : i32
    %swap3A_173 = arith.index_cast %swap3A_172 : i32 to index
    %swap3A_174 = arith.constant 96 : index
    %swap3A_175 = tpu.vector_load %arg7[%swap3A_173, %swap3A_174] {strides = array<i32>} : memref<2x128xi32, #tpu.memory_space<vmem>>, vector<16xi32>,
    tpu.vector_store %arg7[%swap3A_173, %swap3A_174], %and3A_171 {strides = array<i32>} : memref<2x128xi32, #tpu.memory_space<vmem>>, vector<16xi32>,
    %get3A_176 = arith.constant 0 : i32
    %get3A_177 = arith.index_cast %get3A_176 : i32 to index
    %get3A_178 = arith.constant 112 : index
    %get3A_179 = tpu.vector_load %arg5[%get3A_177, %get3A_178] {strides = array<i32>} : memref<80x128xi32, #tpu.memory_space<vmem>>, vector<16xi32>,
    %shift_right_logical3A_180 = arith.constant 14 : i32
    %shift_right_logical3A_181 = vector.broadcast %shift_right_logical3A_180 : i32 to vector<16xi32>
    %shift_right_logical3A_182 = arith.shrui %get3A_179, %shift_right_logical3A_181 : vector<16xi32>
    %swap3A_183 = arith.constant 0 : i32
    %swap3A_184 = arith.index_cast %swap3A_183 : i32 to index
    %swap3A_185 = arith.constant 112 : index
    %swap3A_186 = tpu.vector_load %arg6[%swap3A_184, %swap3A_185] {strides = array<i32>} : memref<2x128xi32, #tpu.memory_space<vmem>>, vector<16xi32>,
    tpu.vector_store %arg6[%swap3A_184, %swap3A_185], %shift_right_logical3A_182 {strides = array<i32>} : memref<2x128xi32, #tpu.memory_space<vmem>>, vector<16xi32>,
    %and3A_187 = arith.andi %get3A_179, %broadcast_in_dim3A_67 : vector<16xi32>
    %swap3A_188 = arith.constant 0 : i32
    %swap3A_189 = arith.index_cast %swap3A_188 : i32 to index
    %swap3A_190 = arith.constant 112 : index
    %swap3A_191 = tpu.vector_load %arg7[%swap3A_189, %swap3A_190] {strides = array<i32>} : memref<2x128xi32, #tpu.memory_space<vmem>>, vector<16xi32>,
    tpu.vector_store %arg7[%swap3A_189, %swap3A_190], %and3A_187 {strides = array<i32>} : memref<2x128xi32, #tpu.memory_space<vmem>>, vector<16xi32>,
    %dma_start3A = arith.constant 0 : i32
    %dma_start3A_192 = arith.constant 0 : i32
    %dma_start3A_193 = tpu.memref_slice %arg6[%dma_start3A, %dma_start3A_192] : memref<2x128xi32, #tpu.memory_space<vmem>> -> memref<1x128xi32, #tpu.memory_space<vmem>>
    %dma_start3A_194 = tpu.memref_squeeze %dma_start3A_193 : memref<1x128xi32, #tpu.memory_space<vmem>> -> memref<128xi32, #tpu.memory_space<vmem>>
    %dma_start3A_195 = arith.constant 0 : i32
    %dma_start3A_196 = arith.constant 0 : i32
    %dma_start3A_197 = tpu.memref_slice %arg3[%dma_start3A_195, %dma_start3A_196] : memref<10240x128xf32, #tpu.memory_space<hbm>> -> memref<10240x128xf32, #tpu.memory_space<hbm>>
    tpu.enqueue_indirect_dma source(%dma_start3A_197 : memref<10240x128xf32, #tpu.memory_space<hbm>>) target(%arg8 : memref<128x128xf32, #tpu.memory_space<vmem>>) offsets(%dma_start3A_194 : memref<128xi32, #tpu.memory_space<vmem>>) semaphore(%arg11 : memref<!tpu.dma_semaphore, #tpu.memory_space<semaphore_mem>>)
    %barrier3A = arith.constant 0 : index
    tpu.barrier barrier_id(%barrier3A)
    %get3A_198 = arith.constant 1 : i32
    %get3A_199 = arith.index_cast %get3A_198 : i32 to index
    %get3A_200 = arith.constant 0 : index
    %get3A_201 = tpu.vector_load %arg5[%get3A_199, %get3A_200] {strides = array<i32>} : memref<80x128xi32, #tpu.memory_space<vmem>>, vector<16xi32>,
    %shift_right_logical3A_202 = arith.constant 14 : i32
    %shift_right_logical3A_203 = vector.broadcast %shift_right_logical3A_202 : i32 to vector<16xi32>
    %shift_right_logical3A_204 = arith.shrui %get3A_201, %shift_right_logical3A_203 : vector<16xi32>
    %swap3A_205 = arith.constant 1 : i32
    %swap3A_206 = arith.index_cast %swap3A_205 : i32 to index
    %swap3A_207 = arith.constant 0 : index
    %swap3A_208 = tpu.vector_load %arg6[%swap3A_206, %swap3A_207] {strides = array<i32>} : memref<2x128xi32, #tpu.memory_space<vmem>>, vector<16xi32>,
    tpu.vector_store %arg6[%swap3A_206, %swap3A_207], %shift_right_logical3A_204 {strides = array<i32>} : memref<2x128xi32, #tpu.memory_space<vmem>>, vector<16xi32>,
    %and3A_209 = arith.andi %get3A_201, %broadcast_in_dim3A_67 : vector<16xi32>
    %swap3A_210 = arith.constant 1 : i32
    %swap3A_211 = arith.index_cast %swap3A_210 : i32 to index
    %swap3A_212 = arith.constant 0 : index
    %swap3A_213 = tpu.vector_load %arg7[%swap3A_211, %swap3A_212] {strides = array<i32>} : memref<2x128xi32, #tpu.memory_space<vmem>>, vector<16xi32>,
    tpu.vector_store %arg7[%swap3A_211, %swap3A_212], %and3A_209 {strides = array<i32>} : memref<2x128xi32, #tpu.memory_space<vmem>>, vector<16xi32>,
    %get3A_214 = arith.constant 1 : i32
    %get3A_215 = arith.index_cast %get3A_214 : i32 to index
    %get3A_216 = arith.constant 16 : index
    %get3A_217 = tpu.vector_load %arg5[%get3A_215, %get3A_216] {strides = array<i32>} : memref<80x128xi32, #tpu.memory_space<vmem>>, vector<16xi32>,
    %shift_right_logical3A_218 = arith.constant 14 : i32
    %shift_right_logical3A_219 = vector.broadcast %shift_right_logical3A_218 : i32 to vector<16xi32>
    %shift_right_logical3A_220 = arith.shrui %get3A_217, %shift_right_logical3A_219 : vector<16xi32>
    %swap3A_221 = arith.constant 1 : i32
    %swap3A_222 = arith.index_cast %swap3A_221 : i32 to index
    %swap3A_223 = arith.constant 16 : index
    %swap3A_224 = tpu.vector_load %arg6[%swap3A_222, %swap3A_223] {strides = array<i32>} : memref<2x128xi32, #tpu.memory_space<vmem>>, vector<16xi32>,
    tpu.vector_store %arg6[%swap3A_222, %swap3A_223], %shift_right_logical3A_220 {strides = array<i32>} : memref<2x128xi32, #tpu.memory_space<vmem>>, vector<16xi32>,
    %and3A_225 = arith.andi %get3A_217, %broadcast_in_dim3A_67 : vector<16xi32>
    %swap3A_226 = arith.constant 1 : i32
    %swap3A_227 = arith.index_cast %swap3A_226 : i32 to index
    %swap3A_228 = arith.constant 16 : index
    %swap3A_229 = tpu.vector_load %arg7[%swap3A_227, %swap3A_228] {strides = array<i32>} : memref<2x128xi32, #tpu.memory_space<vmem>>, vector<16xi32>,
    tpu.vector_store %arg7[%swap3A_227, %swap3A_228], %and3A_225 {strides = array<i32>} : memref<2x128xi32, #tpu.memory_space<vmem>>, vector<16xi32>,
    %get3A_230 = arith.constant 1 : i32
    %get3A_231 = arith.index_cast %get3A_230 : i32 to index
    %get3A_232 = arith.constant 32 : index
    %get3A_233 = tpu.vector_load %arg5[%get3A_231, %get3A_232] {strides = array<i32>} : memref<80x128xi32, #tpu.memory_space<vmem>>, vector<16xi32>,
    %shift_right_logical3A_234 = arith.constant 14 : i32
    %shift_right_logical3A_235 = vector.broadcast %shift_right_logical3A_234 : i32 to vector<16xi32>
    %shift_right_logical3A_236 = arith.shrui %get3A_233, %shift_right_logical3A_235 : vector<16xi32>
    %swap3A_237 = arith.constant 1 : i32
    %swap3A_238 = arith.index_cast %swap3A_237 : i32 to index
    %swap3A_239 = arith.constant 32 : index
    %swap3A_240 = tpu.vector_load %arg6[%swap3A_238, %swap3A_239] {strides = array<i32>} : memref<2x128xi32, #tpu.memory_space<vmem>>, vector<16xi32>,
    tpu.vector_store %arg6[%swap3A_238, %swap3A_239], %shift_right_logical3A_236 {strides = array<i32>} : memref<2x128xi32, #tpu.memory_space<vmem>>, vector<16xi32>,
    %and3A_241 = arith.andi %get3A_233, %broadcast_in_dim3A_67 : vector<16xi32>
    %swap3A_242 = arith.constant 1 : i32
    %swap3A_243 = arith.index_cast %swap3A_242 : i32 to index
    %swap3A_244 = arith.constant 32 : index
    %swap3A_245 = tpu.vector_load %arg7[%swap3A_243, %swap3A_244] {strides = array<i32>} : memref<2x128xi32, #tpu.memory_space<vmem>>, vector<16xi32>,
    tpu.vector_store %arg7[%swap3A_243, %swap3A_244], %and3A_241 {strides = array<i32>} : memref<2x128xi32, #tpu.memory_space<vmem>>, vector<16xi32>,
    %get3A_246 = arith.constant 1 : i32
    %get3A_247 = arith.index_cast %get3A_246 : i32 to index
    %get3A_248 = arith.constant 48 : index
    %get3A_249 = tpu.vector_load %arg5[%get3A_247, %get3A_248] {strides = array<i32>} : memref<80x128xi32, #tpu.memory_space<vmem>>, vector<16xi32>,
    %shift_right_logical3A_250 = arith.constant 14 : i32
    %shift_right_logical3A_251 = vector.broadcast %shift_right_logical3A_250 : i32 to vector<16xi32>
    %shift_right_logical3A_252 = arith.shrui %get3A_249, %shift_right_logical3A_251 : vector<16xi32>
    %swap3A_253 = arith.constant 1 : i32
    %swap3A_254 = arith.index_cast %swap3A_253 : i32 to index
    %swap3A_255 = arith.constant 48 : index
    %swap3A_256 = tpu.vector_load %arg6[%swap3A_254, %swap3A_255] {strides = array<i32>} : memref<2x128xi32, #tpu.memory_space<vmem>>, vector<16xi32>,
    tpu.vector_store %arg6[%swap3A_254, %swap3A_255], %shift_right_logical3A_252 {strides = array<i32>} : memref<2x128xi32, #tpu.memory_space<vmem>>, vector<16xi32>,
    %and3A_257 = arith.andi %get3A_249, %broadcast_in_dim3A_67 : vector<16xi32>
    %swap3A_258 = arith.constant 1 : i32
    %swap3A_259 = arith.index_cast %swap3A_258 : i32 to index
    %swap3A_260 = arith.constant 48 : index
    %swap3A_261 = tpu.vector_load %arg7[%swap3A_259, %swap3A_260] {strides = array<i32>} : memref<2x128xi32, #tpu.memory_space<vmem>>, vector<16xi32>,
    tpu.vector_store %arg7[%swap3A_259, %swap3A_260], %and3A_257 {strides = array<i32>} : memref<2x128xi32, #tpu.memory_space<vmem>>, vector<16xi32>,
    %get3A_262 = arith.constant 1 : i32
    %get3A_263 = arith.index_cast %get3A_262 : i32 to index
    %get3A_264 = arith.constant 64 : index
    %get3A_265 = tpu.vector_load %arg5[%get3A_263, %get3A_264] {strides = array<i32>} : memref<80x128xi32, #tpu.memory_space<vmem>>, vector<16xi32>,
    %shift_right_logical3A_266 = arith.constant 14 : i32
    %shift_right_logical3A_267 = vector.broadcast %shift_right_logical3A_266 : i32 to vector<16xi32>
    %shift_right_logical3A_268 = arith.shrui %get3A_265, %shift_right_logical3A_267 : vector<16xi32>
    %swap3A_269 = arith.constant 1 : i32
    %swap3A_270 = arith.index_cast %swap3A_269 : i32 to index
    %swap3A_271 = arith.constant 64 : index
    %swap3A_272 = tpu.vector_load %arg6[%swap3A_270, %swap3A_271] {strides = array<i32>} : memref<2x128xi32, #tpu.memory_space<vmem>>, vector<16xi32>,
    tpu.vector_store %arg6[%swap3A_270, %swap3A_271], %shift_right_logical3A_268 {strides = array<i32>} : memref<2x128xi32, #tpu.memory_space<vmem>>, vector<16xi32>,
    %and3A_273 = arith.andi %get3A_265, %broadcast_in_dim3A_67 : vector<16xi32>
    %swap3A_274 = arith.constant 1 : i32
    %swap3A_275 = arith.index_cast %swap3A_274 : i32 to index
    %swap3A_276 = arith.constant 64 : index
    %swap3A_277 = tpu.vector_load %arg7[%swap3A_275, %swap3A_276] {strides = array<i32>} : memref<2x128xi32, #tpu.memory_space<vmem>>, vector<16xi32>,
    tpu.vector_store %arg7[%swap3A_275, %swap3A_276], %and3A_273 {strides = array<i32>} : memref<2x128xi32, #tpu.memory_space<vmem>>, vector<16xi32>,
    %get3A_278 = arith.constant 1 : i32
    %get3A_279 = arith.index_cast %get3A_278 : i32 to index
    %get3A_280 = arith.constant 80 : index
    %get3A_281 = tpu.vector_load %arg5[%get3A_279, %get3A_280] {strides = array<i32>} : memref<80x128xi32, #tpu.memory_space<vmem>>, vector<16xi32>,
    %shift_right_logical3A_282 = arith.constant 14 : i32
    %shift_right_logical3A_283 = vector.broadcast %shift_right_logical3A_282 : i32 to vector<16xi32>
    %shift_right_logical3A_284 = arith.shrui %get3A_281, %shift_right_logical3A_283 : vector<16xi32>
    %swap3A_285 = arith.constant 1 : i32
    %swap3A_286 = arith.index_cast %swap3A_285 : i32 to index
    %swap3A_287 = arith.constant 80 : index
    %swap3A_288 = tpu.vector_load %arg6[%swap3A_286, %swap3A_287] {strides = array<i32>} : memref<2x128xi32, #tpu.memory_space<vmem>>, vector<16xi32>,
    tpu.vector_store %arg6[%swap3A_286, %swap3A_287], %shift_right_logical3A_284 {strides = array<i32>} : memref<2x128xi32, #tpu.memory_space<vmem>>, vector<16xi32>,
    %and3A_289 = arith.andi %get3A_281, %broadcast_in_dim3A_67 : vector<16xi32>
    %swap3A_290 = arith.constant 1 : i32
    %swap3A_291 = arith.index_cast %swap3A_290 : i32 to index
    %swap3A_292 = arith.constant 80 : index
    %swap3A_293 = tpu.vector_load %arg7[%swap3A_291, %swap3A_292] {strides = array<i32>} : memref<2x128xi32, #tpu.memory_space<vmem>>, vector<16xi32>,
    tpu.vector_store %arg7[%swap3A_291, %swap3A_292], %and3A_289 {strides = array<i32>} : memref<2x128xi32, #tpu.memory_space<vmem>>, vector<16xi32>,
    %get3A_294 = arith.constant 1 : i32
    %get3A_295 = arith.index_cast %get3A_294 : i32 to index
    %get3A_296 = arith.constant 96 : index
    %get3A_297 = tpu.vector_load %arg5[%get3A_295, %get3A_296] {strides = array<i32>} : memref<80x128xi32, #tpu.memory_space<vmem>>, vector<16xi32>,
    %shift_right_logical3A_298 = arith.constant 14 : i32
    %shift_right_logical3A_299 = vector.broadcast %shift_right_logical3A_298 : i32 to vector<16xi32>
    %shift_right_logical3A_300 = arith.shrui %get3A_297, %shift_right_logical3A_299 : vector<16xi32>
    %swap3A_301 = arith.constant 1 : i32
    %swap3A_302 = arith.index_cast %swap3A_301 : i32 to index
    %swap3A_303 = arith.constant 96 : index
    %swap3A_304 = tpu.vector_load %arg6[%swap3A_302, %swap3A_303] {strides = array<i32>} : memref<2x128xi32, #tpu.memory_space<vmem>>, vector<16xi32>,
    tpu.vector_store %arg6[%swap3A_302, %swap3A_303], %shift_right_logical3A_300 {strides = array<i32>} : memref<2x128xi32, #tpu.memory_space<vmem>>, vector<16xi32>,
    %and3A_305 = arith.andi %get3A_297, %broadcast_in_dim3A_67 : vector<16xi32>
    %swap3A_306 = arith.constant 1 : i32
    %swap3A_307 = arith.index_cast %swap3A_306 : i32 to index
    %swap3A_308 = arith.constant 96 : index
    %swap3A_309 = tpu.vector_load %arg7[%swap3A_307, %swap3A_308] {strides = array<i32>} : memref<2x128xi32, #tpu.memory_space<vmem>>, vector<16xi32>,
    tpu.vector_store %arg7[%swap3A_307, %swap3A_308], %and3A_305 {strides = array<i32>} : memref<2x128xi32, #tpu.memory_space<vmem>>, vector<16xi32>,
    %get3A_310 = arith.constant 1 : i32
    %get3A_311 = arith.index_cast %get3A_310 : i32 to index
    %get3A_312 = arith.constant 112 : index
    %get3A_313 = tpu.vector_load %arg5[%get3A_311, %get3A_312] {strides = array<i32>} : memref<80x128xi32, #tpu.memory_space<vmem>>, vector<16xi32>,
    %shift_right_logical3A_314 = arith.constant 14 : i32
    %shift_right_logical3A_315 = vector.broadcast %shift_right_logical3A_314 : i32 to vector<16xi32>
    %shift_right_logical3A_316 = arith.shrui %get3A_313, %shift_right_logical3A_315 : vector<16xi32>
    %swap3A_317 = arith.constant 1 : i32
    %swap3A_318 = arith.index_cast %swap3A_317 : i32 to index
    %swap3A_319 = arith.constant 112 : index
    %swap3A_320 = tpu.vector_load %arg6[%swap3A_318, %swap3A_319] {strides = array<i32>} : memref<2x128xi32, #tpu.memory_space<vmem>>, vector<16xi32>,
    tpu.vector_store %arg6[%swap3A_318, %swap3A_319], %shift_right_logical3A_316 {strides = array<i32>} : memref<2x128xi32, #tpu.memory_space<vmem>>, vector<16xi32>,
    %and3A_321 = arith.andi %get3A_313, %broadcast_in_dim3A_67 : vector<16xi32>
    %swap3A_322 = arith.constant 1 : i32
    %swap3A_323 = arith.index_cast %swap3A_322 : i32 to index
    %swap3A_324 = arith.constant 112 : index
    %swap3A_325 = tpu.vector_load %arg7[%swap3A_323, %swap3A_324] {strides = array<i32>} : memref<2x128xi32, #tpu.memory_space<vmem>>, vector<16xi32>,
    tpu.vector_store %arg7[%swap3A_323, %swap3A_324], %and3A_321 {strides = array<i32>} : memref<2x128xi32, #tpu.memory_space<vmem>>, vector<16xi32>,
    %dma_wait3A = arith.constant 0 : i32
    %dma_wait3A_326 = arith.constant 0 : i32
    %dma_wait3A_327 = tpu.memref_slice %arg6[%dma_wait3A, %dma_wait3A_326] : memref<2x128xi32, #tpu.memory_space<vmem>> -> memref<1x128xi32, #tpu.memory_space<vmem>>
    %dma_wait3A_328 = tpu.memref_squeeze %dma_wait3A_327 : memref<1x128xi32, #tpu.memory_space<vmem>> -> memref<128xi32, #tpu.memory_space<vmem>>
    %dma_wait3A_329 = arith.constant 0 : i32
    %dma_wait3A_330 = arith.constant 0 : i32
    %dma_wait3A_331 = tpu.memref_slice %arg3[%dma_wait3A_329, %dma_wait3A_330] : memref<10240x128xf32, #tpu.memory_space<hbm>> -> memref<10240x128xf32, #tpu.memory_space<hbm>>
    tpu.wait_indirect_dma semaphore(%arg11 : memref<!tpu.dma_semaphore, #tpu.memory_space<semaphore_mem>>) src(%dma_wait3A_331 : memref<10240x128xf32, #tpu.memory_space<hbm>>) dst(%arg8 : memref<128x128xf32, #tpu.memory_space<vmem>>)
    %dma_start3A_332 = arith.constant 1 : i32
    %dma_start3A_333 = arith.constant 0 : i32
    %dma_start3A_334 = tpu.memref_slice %arg6[%dma_start3A_332, %dma_start3A_333] : memref<2x128xi32, #tpu.memory_space<vmem>> -> memref<1x128xi32, #tpu.memory_space<vmem>>
    %dma_start3A_335 = tpu.memref_squeeze %dma_start3A_334 : memref<1x128xi32, #tpu.memory_space<vmem>> -> memref<128xi32, #tpu.memory_space<vmem>>
    %dma_start3A_336 = arith.constant 0 : i32
    %dma_start3A_337 = arith.constant 0 : i32
    %dma_start3A_338 = tpu.memref_slice %arg3[%dma_start3A_336, %dma_start3A_337] : memref<10240x128xf32, #tpu.memory_space<hbm>> -> memref<10240x128xf32, #tpu.memory_space<hbm>>
    tpu.enqueue_indirect_dma source(%dma_start3A_338 : memref<10240x128xf32, #tpu.memory_space<hbm>>) target(%arg9 : memref<128x128xf32, #tpu.memory_space<vmem>>) offsets(%dma_start3A_335 : memref<128xi32, #tpu.memory_space<vmem>>) semaphore(%arg12 : memref<!tpu.dma_semaphore, #tpu.memory_space<semaphore_mem>>)
    %run_scoped3A = arith.constant 0 : i32
    "tpu.region"() ({
      %run_scoped3A_364 = tpu.sem_alloc : memref<!tpu.dma_semaphore, #tpu.memory_space<semaphore_mem>>
      %dma_start3A_365 = arith.constant 0 : i32
      %dma_start3A_366 = tpu.memref_slice %arg7[%run_scoped3A, %dma_start3A_365] : memref<2x128xi32, #tpu.memory_space<vmem>> -> memref<1x128xi32, #tpu.memory_space<vmem>>
      %dma_start3A_367 = tpu.memref_squeeze %dma_start3A_366 : memref<1x128xi32, #tpu.memory_space<vmem>> -> memref<128xi32, #tpu.memory_space<vmem>>
      %dma_start3A_368 = arith.constant 0 : i32
      %dma_start3A_369 = arith.constant 0 : i32
      %dma_start3A_370 = tpu.memref_slice %arg10[%dma_start3A_368, %dma_start3A_369] : memref<10240x128xf32, #tpu.memory_space<vmem_shared>> -> memref<10240x128xf32, #tpu.memory_space<vmem_shared>>
      tpu.enqueue_indirect_dma source(%arg8 : memref<128x128xf32, #tpu.memory_space<vmem>>) target(%dma_start3A_370 : memref<10240x128xf32, #tpu.memory_space<vmem_shared>>) offsets(%dma_start3A_367 : memref<128xi32, #tpu.memory_space<vmem>>) semaphore(%run_scoped3A_364 : memref<!tpu.dma_semaphore, #tpu.memory_space<semaphore_mem>>) {add = true}
      %dma_wait3A_371 = arith.constant 0 : i32
      %dma_wait3A_372 = tpu.memref_slice %arg7[%run_scoped3A, %dma_wait3A_371] : memref<2x128xi32, #tpu.memory_space<vmem>> -> memref<1x128xi32, #tpu.memory_space<vmem>>
      %dma_wait3A_373 = tpu.memref_squeeze %dma_wait3A_372 : memref<1x128xi32, #tpu.memory_space<vmem>> -> memref<128xi32, #tpu.memory_space<vmem>>
      %dma_wait3A_374 = arith.constant 0 : i32
      %dma_wait3A_375 = arith.constant 0 : i32
      %dma_wait3A_376 = tpu.memref_slice %arg10[%dma_wait3A_374, %dma_wait3A_375] : memref<10240x128xf32, #tpu.memory_space<vmem_shared>> -> memref<10240x128xf32, #tpu.memory_space<vmem_shared>>
      tpu.wait_indirect_dma semaphore(%run_scoped3A_364 : memref<!tpu.dma_semaphore, #tpu.memory_space<semaphore_mem>>) src(%arg8 : memref<128x128xf32, #tpu.memory_space<vmem>>) dst(%dma_wait3A_376 : memref<10240x128xf32, #tpu.memory_space<vmem_shared>>)
      tpu.yield
    }) : () -> ()
    %scan3A_339 = arith.constant 0 : i32
    %scan3A_340 = arith.constant 0 : i32
    %scan3A_341 = arith.constant 39 : i32
    %scan3A_342 = arith.addi %scan3A_340, %scan3A_341 : i32
    %scan3A_343 = arith.constant 1 : i32
    scf.for %scan3A_364 = %scan3A_340 to %scan3A_342 step %scan3A_343  : i32 {
      %mul3A_365 = arith.constant 2 : i32
      %mul3A_366 = arith.muli %scan3A_364, %mul3A_365 : i32
      %add3A_367 = arith.constant 1 : i32
      %add3A_368 = arith.addi %add3A_367, %mul3A_366 : i32
      %add3A_369 = arith.constant 1 : i32
      %add3A_370 = arith.addi %add3A_368, %add3A_369 : i32
      %get3A_371 = arith.index_cast %add3A_370 : i32 to index
      %get3A_372 = arith.constant 0 : index
      %get3A_373 = tpu.vector_load %arg5[%get3A_371, %get3A_372] {strides = array<i32>} : memref<80x128xi32, #tpu.memory_space<vmem>>, vector<16xi32>,
      %shift_right_logical3A_374 = arith.constant 14 : i32
      %shift_right_logical3A_375 = vector.broadcast %shift_right_logical3A_374 : i32 to vector<16xi32>
      %shift_right_logical3A_376 = arith.shrui %get3A_373, %shift_right_logical3A_375 : vector<16xi32>
      %swap3A_377 = arith.constant 0 : i32
      %swap3A_378 = arith.index_cast %swap3A_377 : i32 to index
      %swap3A_379 = arith.constant 0 : index
      %swap3A_380 = tpu.vector_load %arg6[%swap3A_378, %swap3A_379] {strides = array<i32>} : memref<2x128xi32, #tpu.memory_space<vmem>>, vector<16xi32>,
      tpu.vector_store %arg6[%swap3A_378, %swap3A_379], %shift_right_logical3A_376 {strides = array<i32>} : memref<2x128xi32, #tpu.memory_space<vmem>>, vector<16xi32>,
      %and3A_381 = arith.andi %get3A_373, %broadcast_in_dim3A_67 : vector<16xi32>
      %swap3A_382 = arith.constant 0 : i32
      %swap3A_383 = arith.index_cast %swap3A_382 : i32 to index
      %swap3A_384 = arith.constant 0 : index
      %swap3A_385 = tpu.vector_load %arg7[%swap3A_383, %swap3A_384] {strides = array<i32>} : memref<2x128xi32, #tpu.memory_space<vmem>>, vector<16xi32>,
      tpu.vector_store %arg7[%swap3A_383, %swap3A_384], %and3A_381 {strides = array<i32>} : memref<2x128xi32, #tpu.memory_space<vmem>>, vector<16xi32>,
      %get3A_386 = arith.index_cast %add3A_370 : i32 to index
      %get3A_387 = arith.constant 16 : index
      %get3A_388 = tpu.vector_load %arg5[%get3A_386, %get3A_387] {strides = array<i32>} : memref<80x128xi32, #tpu.memory_space<vmem>>, vector<16xi32>,
      %shift_right_logical3A_389 = arith.constant 14 : i32
      %shift_right_logical3A_390 = vector.broadcast %shift_right_logical3A_389 : i32 to vector<16xi32>
      %shift_right_logical3A_391 = arith.shrui %get3A_388, %shift_right_logical3A_390 : vector<16xi32>
      %swap3A_392 = arith.constant 0 : i32
      %swap3A_393 = arith.index_cast %swap3A_392 : i32 to index
      %swap3A_394 = arith.constant 16 : index
      %swap3A_395 = tpu.vector_load %arg6[%swap3A_393, %swap3A_394] {strides = array<i32>} : memref<2x128xi32, #tpu.memory_space<vmem>>, vector<16xi32>,
      tpu.vector_store %arg6[%swap3A_393, %swap3A_394], %shift_right_logical3A_391 {strides = array<i32>} : memref<2x128xi32, #tpu.memory_space<vmem>>, vector<16xi32>,
      %and3A_396 = arith.andi %get3A_388, %broadcast_in_dim3A_67 : vector<16xi32>
      %swap3A_397 = arith.constant 0 : i32
      %swap3A_398 = arith.index_cast %swap3A_397 : i32 to index
      %swap3A_399 = arith.constant 16 : index
      %swap3A_400 = tpu.vector_load %arg7[%swap3A_398, %swap3A_399] {strides = array<i32>} : memref<2x128xi32, #tpu.memory_space<vmem>>, vector<16xi32>,
      tpu.vector_store %arg7[%swap3A_398, %swap3A_399], %and3A_396 {strides = array<i32>} : memref<2x128xi32, #tpu.memory_space<vmem>>, vector<16xi32>,
      %get3A_401 = arith.index_cast %add3A_370 : i32 to index
      %get3A_402 = arith.constant 32 : index
      %get3A_403 = tpu.vector_load %arg5[%get3A_401, %get3A_402] {strides = array<i32>} : memref<80x128xi32, #tpu.memory_space<vmem>>, vector<16xi32>,
      %shift_right_logical3A_404 = arith.constant 14 : i32
      %shift_right_logical3A_405 = vector.broadcast %shift_right_logical3A_404 : i32 to vector<16xi32>
      %shift_right_logical3A_406 = arith.shrui %get3A_403, %shift_right_logical3A_405 : vector<16xi32>
      %swap3A_407 = arith.constant 0 : i32
      %swap3A_408 = arith.index_cast %swap3A_407 : i32 to index
      %swap3A_409 = arith.constant 32 : index
      %swap3A_410 = tpu.vector_load %arg6[%swap3A_408, %swap3A_409] {strides = array<i32>} : memref<2x128xi32, #tpu.memory_space<vmem>>, vector<16xi32>,
      tpu.vector_store %arg6[%swap3A_408, %swap3A_409], %shift_right_logical3A_406 {strides = array<i32>} : memref<2x128xi32, #tpu.memory_space<vmem>>, vector<16xi32>,
      %and3A_411 = arith.andi %get3A_403, %broadcast_in_dim3A_67 : vector<16xi32>
      %swap3A_412 = arith.constant 0 : i32
      %swap3A_413 = arith.index_cast %swap3A_412 : i32 to index
      %swap3A_414 = arith.constant 32 : index
      %swap3A_415 = tpu.vector_load %arg7[%swap3A_413, %swap3A_414] {strides = array<i32>} : memref<2x128xi32, #tpu.memory_space<vmem>>, vector<16xi32>,
      tpu.vector_store %arg7[%swap3A_413, %swap3A_414], %and3A_411 {strides = array<i32>} : memref<2x128xi32, #tpu.memory_space<vmem>>, vector<16xi32>,
      %get3A_416 = arith.index_cast %add3A_370 : i32 to index
      %get3A_417 = arith.constant 48 : index
      %get3A_418 = tpu.vector_load %arg5[%get3A_416, %get3A_417] {strides = array<i32>} : memref<80x128xi32, #tpu.memory_space<vmem>>, vector<16xi32>,
      %shift_right_logical3A_419 = arith.constant 14 : i32
      %shift_right_logical3A_420 = vector.broadcast %shift_right_logical3A_419 : i32 to vector<16xi32>
      %shift_right_logical3A_421 = arith.shrui %get3A_418, %shift_right_logical3A_420 : vector<16xi32>
      %swap3A_422 = arith.constant 0 : i32
      %swap3A_423 = arith.index_cast %swap3A_422 : i32 to index
      %swap3A_424 = arith.constant 48 : index
      %swap3A_425 = tpu.vector_load %arg6[%swap3A_423, %swap3A_424] {strides = array<i32>} : memref<2x128xi32, #tpu.memory_space<vmem>>, vector<16xi32>,
      tpu.vector_store %arg6[%swap3A_423, %swap3A_424], %shift_right_logical3A_421 {strides = array<i32>} : memref<2x128xi32, #tpu.memory_space<vmem>>, vector<16xi32>,
      %and3A_426 = arith.andi %get3A_418, %broadcast_in_dim3A_67 : vector<16xi32>
      %swap3A_427 = arith.constant 0 : i32
      %swap3A_428 = arith.index_cast %swap3A_427 : i32 to index
      %swap3A_429 = arith.constant 48 : index
      %swap3A_430 = tpu.vector_load %arg7[%swap3A_428, %swap3A_429] {strides = array<i32>} : memref<2x128xi32, #tpu.memory_space<vmem>>, vector<16xi32>,
      tpu.vector_store %arg7[%swap3A_428, %swap3A_429], %and3A_426 {strides = array<i32>} : memref<2x128xi32, #tpu.memory_space<vmem>>, vector<16xi32>,
      %get3A_431 = arith.index_cast %add3A_370 : i32 to index
      %get3A_432 = arith.constant 64 : index
      %get3A_433 = tpu.vector_load %arg5[%get3A_431, %get3A_432] {strides = array<i32>} : memref<80x128xi32, #tpu.memory_space<vmem>>, vector<16xi32>,
      %shift_right_logical3A_434 = arith.constant 14 : i32
      %shift_right_logical3A_435 = vector.broadcast %shift_right_logical3A_434 : i32 to vector<16xi32>
      %shift_right_logical3A_436 = arith.shrui %get3A_433, %shift_right_logical3A_435 : vector<16xi32>
      %swap3A_437 = arith.constant 0 : i32
      %swap3A_438 = arith.index_cast %swap3A_437 : i32 to index
      %swap3A_439 = arith.constant 64 : index
      %swap3A_440 = tpu.vector_load %arg6[%swap3A_438, %swap3A_439] {strides = array<i32>} : memref<2x128xi32, #tpu.memory_space<vmem>>, vector<16xi32>,
      tpu.vector_store %arg6[%swap3A_438, %swap3A_439], %shift_right_logical3A_436 {strides = array<i32>} : memref<2x128xi32, #tpu.memory_space<vmem>>, vector<16xi32>,
      %and3A_441 = arith.andi %get3A_433, %broadcast_in_dim3A_67 : vector<16xi32>
      %swap3A_442 = arith.constant 0 : i32
      %swap3A_443 = arith.index_cast %swap3A_442 : i32 to index
      %swap3A_444 = arith.constant 64 : index
      %swap3A_445 = tpu.vector_load %arg7[%swap3A_443, %swap3A_444] {strides = array<i32>} : memref<2x128xi32, #tpu.memory_space<vmem>>, vector<16xi32>,
      tpu.vector_store %arg7[%swap3A_443, %swap3A_444], %and3A_441 {strides = array<i32>} : memref<2x128xi32, #tpu.memory_space<vmem>>, vector<16xi32>,
      %get3A_446 = arith.index_cast %add3A_370 : i32 to index
      %get3A_447 = arith.constant 80 : index
      %get3A_448 = tpu.vector_load %arg5[%get3A_446, %get3A_447] {strides = array<i32>} : memref<80x128xi32, #tpu.memory_space<vmem>>, vector<16xi32>,
      %shift_right_logical3A_449 = arith.constant 14 : i32
      %shift_right_logical3A_450 = vector.broadcast %shift_right_logical3A_449 : i32 to vector<16xi32>
      %shift_right_logical3A_451 = arith.shrui %get3A_448, %shift_right_logical3A_450 : vector<16xi32>
      %swap3A_452 = arith.constant 0 : i32
      %swap3A_453 = arith.index_cast %swap3A_452 : i32 to index
      %swap3A_454 = arith.constant 80 : index
      %swap3A_455 = tpu.vector_load %arg6[%swap3A_453, %swap3A_454] {strides = array<i32>} : memref<2x128xi32, #tpu.memory_space<vmem>>, vector<16xi32>,
      tpu.vector_store %arg6[%swap3A_453, %swap3A_454], %shift_right_logical3A_451 {strides = array<i32>} : memref<2x128xi32, #tpu.memory_space<vmem>>, vector<16xi32>,
      %and3A_456 = arith.andi %get3A_448, %broadcast_in_dim3A_67 : vector<16xi32>
      %swap3A_457 = arith.constant 0 : i32
      %swap3A_458 = arith.index_cast %swap3A_457 : i32 to index
      %swap3A_459 = arith.constant 80 : index
      %swap3A_460 = tpu.vector_load %arg7[%swap3A_458, %swap3A_459] {strides = array<i32>} : memref<2x128xi32, #tpu.memory_space<vmem>>, vector<16xi32>,
      tpu.vector_store %arg7[%swap3A_458, %swap3A_459], %and3A_456 {strides = array<i32>} : memref<2x128xi32, #tpu.memory_space<vmem>>, vector<16xi32>,
      %get3A_461 = arith.index_cast %add3A_370 : i32 to index
      %get3A_462 = arith.constant 96 : index
      %get3A_463 = tpu.vector_load %arg5[%get3A_461, %get3A_462] {strides = array<i32>} : memref<80x128xi32, #tpu.memory_space<vmem>>, vector<16xi32>,
      %shift_right_logical3A_464 = arith.constant 14 : i32
      %shift_right_logical3A_465 = vector.broadcast %shift_right_logical3A_464 : i32 to vector<16xi32>
      %shift_right_logical3A_466 = arith.shrui %get3A_463, %shift_right_logical3A_465 : vector<16xi32>
      %swap3A_467 = arith.constant 0 : i32
      %swap3A_468 = arith.index_cast %swap3A_467 : i32 to index
      %swap3A_469 = arith.constant 96 : index
      %swap3A_470 = tpu.vector_load %arg6[%swap3A_468, %swap3A_469] {strides = array<i32>} : memref<2x128xi32, #tpu.memory_space<vmem>>, vector<16xi32>,
      tpu.vector_store %arg6[%swap3A_468, %swap3A_469], %shift_right_logical3A_466 {strides = array<i32>} : memref<2x128xi32, #tpu.memory_space<vmem>>, vector<16xi32>,
      %and3A_471 = arith.andi %get3A_463, %broadcast_in_dim3A_67 : vector<16xi32>
      %swap3A_472 = arith.constant 0 : i32
      %swap3A_473 = arith.index_cast %swap3A_472 : i32 to index
      %swap3A_474 = arith.constant 96 : index
      %swap3A_475 = tpu.vector_load %arg7[%swap3A_473, %swap3A_474] {strides = array<i32>} : memref<2x128xi32, #tpu.memory_space<vmem>>, vector<16xi32>,
      tpu.vector_store %arg7[%swap3A_473, %swap3A_474], %and3A_471 {strides = array<i32>} : memref<2x128xi32, #tpu.memory_space<vmem>>, vector<16xi32>,
      %get3A_476 = arith.index_cast %add3A_370 : i32 to index
      %get3A_477 = arith.constant 112 : index
      %get3A_478 = tpu.vector_load %arg5[%get3A_476, %get3A_477] {strides = array<i32>} : memref<80x128xi32, #tpu.memory_space<vmem>>, vector<16xi32>,
      %shift_right_logical3A_479 = arith.constant 14 : i32
      %shift_right_logical3A_480 = vector.broadcast %shift_right_logical3A_479 : i32 to vector<16xi32>
      %shift_right_logical3A_481 = arith.shrui %get3A_478, %shift_right_logical3A_480 : vector<16xi32>
      %swap3A_482 = arith.constant 0 : i32
      %swap3A_483 = arith.index_cast %swap3A_482 : i32 to index
      %swap3A_484 = arith.constant 112 : index
      %swap3A_485 = tpu.vector_load %arg6[%swap3A_483, %swap3A_484] {strides = array<i32>} : memref<2x128xi32, #tpu.memory_space<vmem>>, vector<16xi32>,
      tpu.vector_store %arg6[%swap3A_483, %swap3A_484], %shift_right_logical3A_481 {strides = array<i32>} : memref<2x128xi32, #tpu.memory_space<vmem>>, vector<16xi32>,
      %and3A_486 = arith.andi %get3A_478, %broadcast_in_dim3A_67 : vector<16xi32>
      %swap3A_487 = arith.constant 0 : i32
      %swap3A_488 = arith.index_cast %swap3A_487 : i32 to index
      %swap3A_489 = arith.constant 112 : index
      %swap3A_490 = tpu.vector_load %arg7[%swap3A_488, %swap3A_489] {strides = array<i32>} : memref<2x128xi32, #tpu.memory_space<vmem>>, vector<16xi32>,
      tpu.vector_store %arg7[%swap3A_488, %swap3A_489], %and3A_486 {strides = array<i32>} : memref<2x128xi32, #tpu.memory_space<vmem>>, vector<16xi32>,
      %dma_wait3A_491 = arith.constant 0 : i32
      %dma_wait3A_492 = arith.constant 0 : i32
      %dma_wait3A_493 = tpu.memref_slice %arg6[%dma_wait3A_491, %dma_wait3A_492] : memref<2x128xi32, #tpu.memory_space<vmem>> -> memref<1x128xi32, #tpu.memory_space<vmem>>
      %dma_wait3A_494 = tpu.memref_squeeze %dma_wait3A_493 : memref<1x128xi32, #tpu.memory_space<vmem>> -> memref<128xi32, #tpu.memory_space<vmem>>
      %dma_wait3A_495 = arith.constant 0 : i32
      %dma_wait3A_496 = arith.constant 0 : i32
      %dma_wait3A_497 = tpu.memref_slice %arg3[%dma_wait3A_495, %dma_wait3A_496] : memref<10240x128xf32, #tpu.memory_space<hbm>> -> memref<10240x128xf32, #tpu.memory_space<hbm>>
      tpu.wait_indirect_dma semaphore(%arg12 : memref<!tpu.dma_semaphore, #tpu.memory_space<semaphore_mem>>) src(%dma_wait3A_497 : memref<10240x128xf32, #tpu.memory_space<hbm>>) dst(%arg9 : memref<128x128xf32, #tpu.memory_space<vmem>>)
      %dma_start3A_498 = arith.constant 0 : i32
      %dma_start3A_499 = arith.constant 0 : i32
      %dma_start3A_500 = tpu.memref_slice %arg6[%dma_start3A_498, %dma_start3A_499] : memref<2x128xi32, #tpu.memory_space<vmem>> -> memref<1x128xi32, #tpu.memory_space<vmem>>
      %dma_start3A_501 = tpu.memref_squeeze %dma_start3A_500 : memref<1x128xi32, #tpu.memory_space<vmem>> -> memref<128xi32, #tpu.memory_space<vmem>>
      %dma_start3A_502 = arith.constant 0 : i32
      %dma_start3A_503 = arith.constant 0 : i32
      %dma_start3A_504 = tpu.memref_slice %arg3[%dma_start3A_502, %dma_start3A_503] : memref<10240x128xf32, #tpu.memory_space<hbm>> -> memref<10240x128xf32, #tpu.memory_space<hbm>>
      tpu.enqueue_indirect_dma source(%dma_start3A_504 : memref<10240x128xf32, #tpu.memory_space<hbm>>) target(%arg8 : memref<128x128xf32, #tpu.memory_space<vmem>>) offsets(%dma_start3A_501 : memref<128xi32, #tpu.memory_space<vmem>>) semaphore(%arg11 : memref<!tpu.dma_semaphore, #tpu.memory_space<semaphore_mem>>)
      %run_scoped3A_505 = arith.constant 1 : i32
      "tpu.region"() ({
        %run_scoped3A_645 = tpu.sem_alloc : memref<!tpu.dma_semaphore, #tpu.memory_space<semaphore_mem>>
        %dma_start3A_646 = arith.constant 0 : i32
        %dma_start3A_647 = tpu.memref_slice %arg7[%run_scoped3A_505, %dma_start3A_646] : memref<2x128xi32, #tpu.memory_space<vmem>> -> memref<1x128xi32, #tpu.memory_space<vmem>>
        %dma_start3A_648 = tpu.memref_squeeze %dma_start3A_647 : memref<1x128xi32, #tpu.memory_space<vmem>> -> memref<128xi32, #tpu.memory_space<vmem>>
        %dma_start3A_649 = arith.constant 0 : i32
        %dma_start3A_650 = arith.constant 0 : i32
        %dma_start3A_651 = tpu.memref_slice %arg10[%dma_start3A_649, %dma_start3A_650] : memref<10240x128xf32, #tpu.memory_space<vmem_shared>> -> memref<10240x128xf32, #tpu.memory_space<vmem_shared>>
        tpu.enqueue_indirect_dma source(%arg9 : memref<128x128xf32, #tpu.memory_space<vmem>>) target(%dma_start3A_651 : memref<10240x128xf32, #tpu.memory_space<vmem_shared>>) offsets(%dma_start3A_648 : memref<128xi32, #tpu.memory_space<vmem>>) semaphore(%run_scoped3A_645 : memref<!tpu.dma_semaphore, #tpu.memory_space<semaphore_mem>>) {add = true}
        %dma_wait3A_652 = arith.constant 0 : i32
        %dma_wait3A_653 = tpu.memref_slice %arg7[%run_scoped3A_505, %dma_wait3A_652] : memref<2x128xi32, #tpu.memory_space<vmem>> -> memref<1x128xi32, #tpu.memory_space<vmem>>
        %dma_wait3A_654 = tpu.memref_squeeze %dma_wait3A_653 : memref<1x128xi32, #tpu.memory_space<vmem>> -> memref<128xi32, #tpu.memory_space<vmem>>
        %dma_wait3A_655 = arith.constant 0 : i32
        %dma_wait3A_656 = arith.constant 0 : i32
        %dma_wait3A_657 = tpu.memref_slice %arg10[%dma_wait3A_655, %dma_wait3A_656] : memref<10240x128xf32, #tpu.memory_space<vmem_shared>> -> memref<10240x128xf32, #tpu.memory_space<vmem_shared>>
        tpu.wait_indirect_dma semaphore(%run_scoped3A_645 : memref<!tpu.dma_semaphore, #tpu.memory_space<semaphore_mem>>) src(%arg9 : memref<128x128xf32, #tpu.memory_space<vmem>>) dst(%dma_wait3A_657 : memref<10240x128xf32, #tpu.memory_space<vmem_shared>>)
        tpu.yield
      }) : () -> ()
      %add3A_506 = arith.constant 1 : i32
      %add3A_507 = arith.addi %add3A_368, %add3A_506 : i32
      %add3A_508 = arith.constant 1 : i32
      %add3A_509 = arith.addi %add3A_507, %add3A_508 : i32
      %get3A_510 = arith.index_cast %add3A_509 : i32 to index
      %get3A_511 = arith.constant 0 : index
      %get3A_512 = tpu.vector_load %arg5[%get3A_510, %get3A_511] {strides = array<i32>} : memref<80x128xi32, #tpu.memory_space<vmem>>, vector<16xi32>,
      %shift_right_logical3A_513 = arith.constant 14 : i32
      %shift_right_logical3A_514 = vector.broadcast %shift_right_logical3A_513 : i32 to vector<16xi32>
      %shift_right_logical3A_515 = arith.shrui %get3A_512, %shift_right_logical3A_514 : vector<16xi32>
      %swap3A_516 = arith.constant 1 : i32
      %swap3A_517 = arith.index_cast %swap3A_516 : i32 to index
      %swap3A_518 = arith.constant 0 : index
      %swap3A_519 = tpu.vector_load %arg6[%swap3A_517, %swap3A_518] {strides = array<i32>} : memref<2x128xi32, #tpu.memory_space<vmem>>, vector<16xi32>,
      tpu.vector_store %arg6[%swap3A_517, %swap3A_518], %shift_right_logical3A_515 {strides = array<i32>} : memref<2x128xi32, #tpu.memory_space<vmem>>, vector<16xi32>,
      %and3A_520 = arith.andi %get3A_512, %broadcast_in_dim3A_67 : vector<16xi32>
      %swap3A_521 = arith.constant 1 : i32
      %swap3A_522 = arith.index_cast %swap3A_521 : i32 to index
      %swap3A_523 = arith.constant 0 : index
      %swap3A_524 = tpu.vector_load %arg7[%swap3A_522, %swap3A_523] {strides = array<i32>} : memref<2x128xi32, #tpu.memory_space<vmem>>, vector<16xi32>,
      tpu.vector_store %arg7[%swap3A_522, %swap3A_523], %and3A_520 {strides = array<i32>} : memref<2x128xi32, #tpu.memory_space<vmem>>, vector<16xi32>,
      %get3A_525 = arith.index_cast %add3A_509 : i32 to index
      %get3A_526 = arith.constant 16 : index
      %get3A_527 = tpu.vector_load %arg5[%get3A_525, %get3A_526] {strides = array<i32>} : memref<80x128xi32, #tpu.memory_space<vmem>>, vector<16xi32>,
      %shift_right_logical3A_528 = arith.constant 14 : i32
      %shift_right_logical3A_529 = vector.broadcast %shift_right_logical3A_528 : i32 to vector<16xi32>
      %shift_right_logical3A_530 = arith.shrui %get3A_527, %shift_right_logical3A_529 : vector<16xi32>
      %swap3A_531 = arith.constant 1 : i32
      %swap3A_532 = arith.index_cast %swap3A_531 : i32 to index
      %swap3A_533 = arith.constant 16 : index
      %swap3A_534 = tpu.vector_load %arg6[%swap3A_532, %swap3A_533] {strides = array<i32>} : memref<2x128xi32, #tpu.memory_space<vmem>>, vector<16xi32>,
      tpu.vector_store %arg6[%swap3A_532, %swap3A_533], %shift_right_logical3A_530 {strides = array<i32>} : memref<2x128xi32, #tpu.memory_space<vmem>>, vector<16xi32>,
      %and3A_535 = arith.andi %get3A_527, %broadcast_in_dim3A_67 : vector<16xi32>
      %swap3A_536 = arith.constant 1 : i32
      %swap3A_537 = arith.index_cast %swap3A_536 : i32 to index
      %swap3A_538 = arith.constant 16 : index
      %swap3A_539 = tpu.vector_load %arg7[%swap3A_537, %swap3A_538] {strides = array<i32>} : memref<2x128xi32, #tpu.memory_space<vmem>>, vector<16xi32>,
      tpu.vector_store %arg7[%swap3A_537, %swap3A_538], %and3A_535 {strides = array<i32>} : memref<2x128xi32, #tpu.memory_space<vmem>>, vector<16xi32>,
      %get3A_540 = arith.index_cast %add3A_509 : i32 to index
      %get3A_541 = arith.constant 32 : index
      %get3A_542 = tpu.vector_load %arg5[%get3A_540, %get3A_541] {strides = array<i32>} : memref<80x128xi32, #tpu.memory_space<vmem>>, vector<16xi32>,
      %shift_right_logical3A_543 = arith.constant 14 : i32
      %shift_right_logical3A_544 = vector.broadcast %shift_right_logical3A_543 : i32 to vector<16xi32>
      %shift_right_logical3A_545 = arith.shrui %get3A_542, %shift_right_logical3A_544 : vector<16xi32>
      %swap3A_546 = arith.constant 1 : i32
      %swap3A_547 = arith.index_cast %swap3A_546 : i32 to index
      %swap3A_548 = arith.constant 32 : index
      %swap3A_549 = tpu.vector_load %arg6[%swap3A_547, %swap3A_548] {strides = array<i32>} : memref<2x128xi32, #tpu.memory_space<vmem>>, vector<16xi32>,
      tpu.vector_store %arg6[%swap3A_547, %swap3A_548], %shift_right_logical3A_545 {strides = array<i32>} : memref<2x128xi32, #tpu.memory_space<vmem>>, vector<16xi32>,
      %and3A_550 = arith.andi %get3A_542, %broadcast_in_dim3A_67 : vector<16xi32>
      %swap3A_551 = arith.constant 1 : i32
      %swap3A_552 = arith.index_cast %swap3A_551 : i32 to index
      %swap3A_553 = arith.constant 32 : index
      %swap3A_554 = tpu.vector_load %arg7[%swap3A_552, %swap3A_553] {strides = array<i32>} : memref<2x128xi32, #tpu.memory_space<vmem>>, vector<16xi32>,
      tpu.vector_store %arg7[%swap3A_552, %swap3A_553], %and3A_550 {strides = array<i32>} : memref<2x128xi32, #tpu.memory_space<vmem>>, vector<16xi32>,
      %get3A_555 = arith.index_cast %add3A_509 : i32 to index
      %get3A_556 = arith.constant 48 : index
      %get3A_557 = tpu.vector_load %arg5[%get3A_555, %get3A_556] {strides = array<i32>} : memref<80x128xi32, #tpu.memory_space<vmem>>, vector<16xi32>,
      %shift_right_logical3A_558 = arith.constant 14 : i32
      %shift_right_logical3A_559 = vector.broadcast %shift_right_logical3A_558 : i32 to vector<16xi32>
      %shift_right_logical3A_560 = arith.shrui %get3A_557, %shift_right_logical3A_559 : vector<16xi32>
      %swap3A_561 = arith.constant 1 : i32
      %swap3A_562 = arith.index_cast %swap3A_561 : i32 to index
      %swap3A_563 = arith.constant 48 : index
      %swap3A_564 = tpu.vector_load %arg6[%swap3A_562, %swap3A_563] {strides = array<i32>} : memref<2x128xi32, #tpu.memory_space<vmem>>, vector<16xi32>,
      tpu.vector_store %arg6[%swap3A_562, %swap3A_563], %shift_right_logical3A_560 {strides = array<i32>} : memref<2x128xi32, #tpu.memory_space<vmem>>, vector<16xi32>,
      %and3A_565 = arith.andi %get3A_557, %broadcast_in_dim3A_67 : vector<16xi32>
      %swap3A_566 = arith.constant 1 : i32
      %swap3A_567 = arith.index_cast %swap3A_566 : i32 to index
      %swap3A_568 = arith.constant 48 : index
      %swap3A_569 = tpu.vector_load %arg7[%swap3A_567, %swap3A_568] {strides = array<i32>} : memref<2x128xi32, #tpu.memory_space<vmem>>, vector<16xi32>,
      tpu.vector_store %arg7[%swap3A_567, %swap3A_568], %and3A_565 {strides = array<i32>} : memref<2x128xi32, #tpu.memory_space<vmem>>, vector<16xi32>,
      %get3A_570 = arith.index_cast %add3A_509 : i32 to index
      %get3A_571 = arith.constant 64 : index
      %get3A_572 = tpu.vector_load %arg5[%get3A_570, %get3A_571] {strides = array<i32>} : memref<80x128xi32, #tpu.memory_space<vmem>>, vector<16xi32>,
      %shift_right_logical3A_573 = arith.constant 14 : i32
      %shift_right_logical3A_574 = vector.broadcast %shift_right_logical3A_573 : i32 to vector<16xi32>
      %shift_right_logical3A_575 = arith.shrui %get3A_572, %shift_right_logical3A_574 : vector<16xi32>
      %swap3A_576 = arith.constant 1 : i32
      %swap3A_577 = arith.index_cast %swap3A_576 : i32 to index
      %swap3A_578 = arith.constant 64 : index
      %swap3A_579 = tpu.vector_load %arg6[%swap3A_577, %swap3A_578] {strides = array<i32>} : memref<2x128xi32, #tpu.memory_space<vmem>>, vector<16xi32>,
      tpu.vector_store %arg6[%swap3A_577, %swap3A_578], %shift_right_logical3A_575 {strides = array<i32>} : memref<2x128xi32, #tpu.memory_space<vmem>>, vector<16xi32>,
      %and3A_580 = arith.andi %get3A_572, %broadcast_in_dim3A_67 : vector<16xi32>
      %swap3A_581 = arith.constant 1 : i32
      %swap3A_582 = arith.index_cast %swap3A_581 : i32 to index
      %swap3A_583 = arith.constant 64 : index
      %swap3A_584 = tpu.vector_load %arg7[%swap3A_582, %swap3A_583] {strides = array<i32>} : memref<2x128xi32, #tpu.memory_space<vmem>>, vector<16xi32>,
      tpu.vector_store %arg7[%swap3A_582, %swap3A_583], %and3A_580 {strides = array<i32>} : memref<2x128xi32, #tpu.memory_space<vmem>>, vector<16xi32>,
      %get3A_585 = arith.index_cast %add3A_509 : i32 to index
      %get3A_586 = arith.constant 80 : index
      %get3A_587 = tpu.vector_load %arg5[%get3A_585, %get3A_586] {strides = array<i32>} : memref<80x128xi32, #tpu.memory_space<vmem>>, vector<16xi32>,
      %shift_right_logical3A_588 = arith.constant 14 : i32
      %shift_right_logical3A_589 = vector.broadcast %shift_right_logical3A_588 : i32 to vector<16xi32>
      %shift_right_logical3A_590 = arith.shrui %get3A_587, %shift_right_logical3A_589 : vector<16xi32>
      %swap3A_591 = arith.constant 1 : i32
      %swap3A_592 = arith.index_cast %swap3A_591 : i32 to index
      %swap3A_593 = arith.constant 80 : index
      %swap3A_594 = tpu.vector_load %arg6[%swap3A_592, %swap3A_593] {strides = array<i32>} : memref<2x128xi32, #tpu.memory_space<vmem>>, vector<16xi32>,
      tpu.vector_store %arg6[%swap3A_592, %swap3A_593], %shift_right_logical3A_590 {strides = array<i32>} : memref<2x128xi32, #tpu.memory_space<vmem>>, vector<16xi32>,
      %and3A_595 = arith.andi %get3A_587, %broadcast_in_dim3A_67 : vector<16xi32>
      %swap3A_596 = arith.constant 1 : i32
      %swap3A_597 = arith.index_cast %swap3A_596 : i32 to index
      %swap3A_598 = arith.constant 80 : index
      %swap3A_599 = tpu.vector_load %arg7[%swap3A_597, %swap3A_598] {strides = array<i32>} : memref<2x128xi32, #tpu.memory_space<vmem>>, vector<16xi32>,
      tpu.vector_store %arg7[%swap3A_597, %swap3A_598], %and3A_595 {strides = array<i32>} : memref<2x128xi32, #tpu.memory_space<vmem>>, vector<16xi32>,
      %get3A_600 = arith.index_cast %add3A_509 : i32 to index
      %get3A_601 = arith.constant 96 : index
      %get3A_602 = tpu.vector_load %arg5[%get3A_600, %get3A_601] {strides = array<i32>} : memref<80x128xi32, #tpu.memory_space<vmem>>, vector<16xi32>,
      %shift_right_logical3A_603 = arith.constant 14 : i32
      %shift_right_logical3A_604 = vector.broadcast %shift_right_logical3A_603 : i32 to vector<16xi32>
      %shift_right_logical3A_605 = arith.shrui %get3A_602, %shift_right_logical3A_604 : vector<16xi32>
      %swap3A_606 = arith.constant 1 : i32
      %swap3A_607 = arith.index_cast %swap3A_606 : i32 to index
      %swap3A_608 = arith.constant 96 : index
      %swap3A_609 = tpu.vector_load %arg6[%swap3A_607, %swap3A_608] {strides = array<i32>} : memref<2x128xi32, #tpu.memory_space<vmem>>, vector<16xi32>,
      tpu.vector_store %arg6[%swap3A_607, %swap3A_608], %shift_right_logical3A_605 {strides = array<i32>} : memref<2x128xi32, #tpu.memory_space<vmem>>, vector<16xi32>,
      %and3A_610 = arith.andi %get3A_602, %broadcast_in_dim3A_67 : vector<16xi32>
      %swap3A_611 = arith.constant 1 : i32
      %swap3A_612 = arith.index_cast %swap3A_611 : i32 to index
      %swap3A_613 = arith.constant 96 : index
      %swap3A_614 = tpu.vector_load %arg7[%swap3A_612, %swap3A_613] {strides = array<i32>} : memref<2x128xi32, #tpu.memory_space<vmem>>, vector<16xi32>,
      tpu.vector_store %arg7[%swap3A_612, %swap3A_613], %and3A_610 {strides = array<i32>} : memref<2x128xi32, #tpu.memory_space<vmem>>, vector<16xi32>,
      %get3A_615 = arith.index_cast %add3A_509 : i32 to index
      %get3A_616 = arith.constant 112 : index
      %get3A_617 = tpu.vector_load %arg5[%get3A_615, %get3A_616] {strides = array<i32>} : memref<80x128xi32, #tpu.memory_space<vmem>>, vector<16xi32>,
      %shift_right_logical3A_618 = arith.constant 14 : i32
      %shift_right_logical3A_619 = vector.broadcast %shift_right_logical3A_618 : i32 to vector<16xi32>
      %shift_right_logical3A_620 = arith.shrui %get3A_617, %shift_right_logical3A_619 : vector<16xi32>
      %swap3A_621 = arith.constant 1 : i32
      %swap3A_622 = arith.index_cast %swap3A_621 : i32 to index
      %swap3A_623 = arith.constant 112 : index
      %swap3A_624 = tpu.vector_load %arg6[%swap3A_622, %swap3A_623] {strides = array<i32>} : memref<2x128xi32, #tpu.memory_space<vmem>>, vector<16xi32>,
      tpu.vector_store %arg6[%swap3A_622, %swap3A_623], %shift_right_logical3A_620 {strides = array<i32>} : memref<2x128xi32, #tpu.memory_space<vmem>>, vector<16xi32>,
      %and3A_625 = arith.andi %get3A_617, %broadcast_in_dim3A_67 : vector<16xi32>
      %swap3A_626 = arith.constant 1 : i32
      %swap3A_627 = arith.index_cast %swap3A_626 : i32 to index
      %swap3A_628 = arith.constant 112 : index
      %swap3A_629 = tpu.vector_load %arg7[%swap3A_627, %swap3A_628] {strides = array<i32>} : memref<2x128xi32, #tpu.memory_space<vmem>>, vector<16xi32>,
      tpu.vector_store %arg7[%swap3A_627, %swap3A_628], %and3A_625 {strides = array<i32>} : memref<2x128xi32, #tpu.memory_space<vmem>>, vector<16xi32>,
      %dma_wait3A_630 = arith.constant 0 : i32
      %dma_wait3A_631 = arith.constant 0 : i32
      %dma_wait3A_632 = tpu.memref_slice %arg6[%dma_wait3A_630, %dma_wait3A_631] : memref<2x128xi32, #tpu.memory_space<vmem>> -> memref<1x128xi32, #tpu.memory_space<vmem>>
      %dma_wait3A_633 = tpu.memref_squeeze %dma_wait3A_632 : memref<1x128xi32, #tpu.memory_space<vmem>> -> memref<128xi32, #tpu.memory_space<vmem>>
      %dma_wait3A_634 = arith.constant 0 : i32
      %dma_wait3A_635 = arith.constant 0 : i32
      %dma_wait3A_636 = tpu.memref_slice %arg3[%dma_wait3A_634, %dma_wait3A_635] : memref<10240x128xf32, #tpu.memory_space<hbm>> -> memref<10240x128xf32, #tpu.memory_space<hbm>>
      tpu.wait_indirect_dma semaphore(%arg11 : memref<!tpu.dma_semaphore, #tpu.memory_space<semaphore_mem>>) src(%dma_wait3A_636 : memref<10240x128xf32, #tpu.memory_space<hbm>>) dst(%arg8 : memref<128x128xf32, #tpu.memory_space<vmem>>)
      %dma_start3A_637 = arith.constant 1 : i32
      %dma_start3A_638 = arith.constant 0 : i32
      %dma_start3A_639 = tpu.memref_slice %arg6[%dma_start3A_637, %dma_start3A_638] : memref<2x128xi32, #tpu.memory_space<vmem>> -> memref<1x128xi32, #tpu.memory_space<vmem>>
      %dma_start3A_640 = tpu.memref_squeeze %dma_start3A_639 : memref<1x128xi32, #tpu.memory_space<vmem>> -> memref<128xi32, #tpu.memory_space<vmem>>
      %dma_start3A_641 = arith.constant 0 : i32
      %dma_start3A_642 = arith.constant 0 : i32
      %dma_start3A_643 = tpu.memref_slice %arg3[%dma_start3A_641, %dma_start3A_642] : memref<10240x128xf32, #tpu.memory_space<hbm>> -> memref<10240x128xf32, #tpu.memory_space<hbm>>
      tpu.enqueue_indirect_dma source(%dma_start3A_643 : memref<10240x128xf32, #tpu.memory_space<hbm>>) target(%arg9 : memref<128x128xf32, #tpu.memory_space<vmem>>) offsets(%dma_start3A_640 : memref<128xi32, #tpu.memory_space<vmem>>) semaphore(%arg12 : memref<!tpu.dma_semaphore, #tpu.memory_space<semaphore_mem>>)
      %run_scoped3A_644 = arith.constant 0 : i32
      "tpu.region"() ({
        %run_scoped3A_645 = tpu.sem_alloc : memref<!tpu.dma_semaphore, #tpu.memory_space<semaphore_mem>>
        %dma_start3A_646 = arith.constant 0 : i32
        %dma_start3A_647 = tpu.memref_slice %arg7[%run_scoped3A_644, %dma_start3A_646] : memref<2x128xi32, #tpu.memory_space<vmem>> -> memref<1x128xi32, #tpu.memory_space<vmem>>
        %dma_start3A_648 = tpu.memref_squeeze %dma_start3A_647 : memref<1x128xi32, #tpu.memory_space<vmem>> -> memref<128xi32, #tpu.memory_space<vmem>>
        %dma_start3A_649 = arith.constant 0 : i32
        %dma_start3A_650 = arith.constant 0 : i32
        %dma_start3A_651 = tpu.memref_slice %arg10[%dma_start3A_649, %dma_start3A_650] : memref<10240x128xf32, #tpu.memory_space<vmem_shared>> -> memref<10240x128xf32, #tpu.memory_space<vmem_shared>>
        tpu.enqueue_indirect_dma source(%arg8 : memref<128x128xf32, #tpu.memory_space<vmem>>) target(%dma_start3A_651 : memref<10240x128xf32, #tpu.memory_space<vmem_shared>>) offsets(%dma_start3A_648 : memref<128xi32, #tpu.memory_space<vmem>>) semaphore(%run_scoped3A_645 : memref<!tpu.dma_semaphore, #tpu.memory_space<semaphore_mem>>) {add = true}
        %dma_wait3A_652 = arith.constant 0 : i32
        %dma_wait3A_653 = tpu.memref_slice %arg7[%run_scoped3A_644, %dma_wait3A_652] : memref<2x128xi32, #tpu.memory_space<vmem>> -> memref<1x128xi32, #tpu.memory_space<vmem>>
        %dma_wait3A_654 = tpu.memref_squeeze %dma_wait3A_653 : memref<1x128xi32, #tpu.memory_space<vmem>> -> memref<128xi32, #tpu.memory_space<vmem>>
        %dma_wait3A_655 = arith.constant 0 : i32
        %dma_wait3A_656 = arith.constant 0 : i32
        %dma_wait3A_657 = tpu.memref_slice %arg10[%dma_wait3A_655, %dma_wait3A_656] : memref<10240x128xf32, #tpu.memory_space<vmem_shared>> -> memref<10240x128xf32, #tpu.memory_space<vmem_shared>>
        tpu.wait_indirect_dma semaphore(%run_scoped3A_645 : memref<!tpu.dma_semaphore, #tpu.memory_space<semaphore_mem>>) src(%arg8 : memref<128x128xf32, #tpu.memory_space<vmem>>) dst(%dma_wait3A_657 : memref<10240x128xf32, #tpu.memory_space<vmem_shared>>)
        tpu.yield
      }) : () -> ()
    }
    %scan3A_344 = arith.constant 39 : i32
    %dma_wait3A_345 = arith.constant 0 : i32
    %dma_wait3A_346 = arith.constant 0 : i32
    %dma_wait3A_347 = tpu.memref_slice %arg6[%dma_wait3A_345, %dma_wait3A_346] : memref<2x128xi32, #tpu.memory_space<vmem>> -> memref<1x128xi32, #tpu.memory_space<vmem>>
    %dma_wait3A_348 = tpu.memref_squeeze %dma_wait3A_347 : memref<1x128xi32, #tpu.memory_space<vmem>> -> memref<128xi32, #tpu.memory_space<vmem>>
    %dma_wait3A_349 = arith.constant 0 : i32
    %dma_wait3A_350 = arith.constant 0 : i32
    %dma_wait3A_351 = tpu.memref_slice %arg3[%dma_wait3A_349, %dma_wait3A_350] : memref<10240x128xf32, #tpu.memory_space<hbm>> -> memref<10240x128xf32, #tpu.memory_space<hbm>>
    tpu.wait_indirect_dma semaphore(%arg12 : memref<!tpu.dma_semaphore, #tpu.memory_space<semaphore_mem>>) src(%dma_wait3A_351 : memref<10240x128xf32, #tpu.memory_space<hbm>>) dst(%arg9 : memref<128x128xf32, #tpu.memory_space<vmem>>)
    %run_scoped3A_352 = arith.constant 1 : i32
    "tpu.region"() ({
      %run_scoped3A_364 = tpu.sem_alloc : memref<!tpu.dma_semaphore, #tpu.memory_space<semaphore_mem>>
      %dma_start3A_365 = arith.constant 0 : i32
      %dma_start3A_366 = tpu.memref_slice %arg7[%run_scoped3A_352, %dma_start3A_365] : memref<2x128xi32, #tpu.memory_space<vmem>> -> memref<1x128xi32, #tpu.memory_space<vmem>>
      %dma_start3A_367 = tpu.memref_squeeze %dma_start3A_366 : memref<1x128xi32, #tpu.memory_space<vmem>> -> memref<128xi32, #tpu.memory_space<vmem>>
      %dma_start3A_368 = arith.constant 0 : i32
      %dma_start3A_369 = arith.constant 0 : i32
      %dma_start3A_370 = tpu.memref_slice %arg10[%dma_start3A_368, %dma_start3A_369] : memref<10240x128xf32, #tpu.memory_space<vmem_shared>> -> memref<10240x128xf32, #tpu.memory_space<vmem_shared>>
      tpu.enqueue_indirect_dma source(%arg9 : memref<128x128xf32, #tpu.memory_space<vmem>>) target(%dma_start3A_370 : memref<10240x128xf32, #tpu.memory_space<vmem_shared>>) offsets(%dma_start3A_367 : memref<128xi32, #tpu.memory_space<vmem>>) semaphore(%run_scoped3A_364 : memref<!tpu.dma_semaphore, #tpu.memory_space<semaphore_mem>>) {add = true}
      %dma_wait3A_371 = arith.constant 0 : i32
      %dma_wait3A_372 = tpu.memref_slice %arg7[%run_scoped3A_352, %dma_wait3A_371] : memref<2x128xi32, #tpu.memory_space<vmem>> -> memref<1x128xi32, #tpu.memory_space<vmem>>
      %dma_wait3A_373 = tpu.memref_squeeze %dma_wait3A_372 : memref<1x128xi32, #tpu.memory_space<vmem>> -> memref<128xi32, #tpu.memory_space<vmem>>
      %dma_wait3A_374 = arith.constant 0 : i32
      %dma_wait3A_375 = arith.constant 0 : i32
      %dma_wait3A_376 = tpu.memref_slice %arg10[%dma_wait3A_374, %dma_wait3A_375] : memref<10240x128xf32, #tpu.memory_space<vmem_shared>> -> memref<10240x128xf32, #tpu.memory_space<vmem_shared>>
      tpu.wait_indirect_dma semaphore(%run_scoped3A_364 : memref<!tpu.dma_semaphore, #tpu.memory_space<semaphore_mem>>) src(%arg9 : memref<128x128xf32, #tpu.memory_space<vmem>>) dst(%dma_wait3A_376 : memref<10240x128xf32, #tpu.memory_space<vmem_shared>>)
      tpu.yield
    }) : () -> ()
    %barrier3A_353 = arith.constant 0 : index
    tpu.barrier barrier_id(%barrier3A_353)
    %add3A_354 = arith.constant 0 : i32
    %add3A_355 = arith.addi %mul3A_8, %add3A_354 : i32
    "tpu.region"() ({
      %run_scoped3A_364 = tpu.sem_alloc : memref<!tpu.dma_semaphore, #tpu.memory_space<semaphore_mem>>
      %dma_start3A_365 = arith.constant 0 : i32
      %dma_start3A_366 = tpu.memref_slice %arg10[%add3A_355, %dma_start3A_365] : memref<10240x128xf32, #tpu.memory_space<vmem_shared>> -> memref<128x128xf32, #tpu.memory_space<vmem_shared>>
      %dma_start3A_367 = arith.constant 0 : i32
      %dma_start3A_368 = tpu.memref_slice %arg10[%add3A_355, %dma_start3A_367] : memref<10240x128xf32, #tpu.memory_space<vmem_shared>> -> memref<128x128xf32, #tpu.memory_space<vmem_shared>>
      tpu.enqueue_dma source(%dma_start3A_368 : memref<128x128xf32, #tpu.memory_space<vmem_shared>>) target(%arg8 : memref<128x128xf32, #tpu.memory_space<vmem>>) target_semaphore(%run_scoped3A_364 : memref<!tpu.dma_semaphore, #tpu.memory_space<semaphore_mem>>)
      %dma_wait3A_369 = arith.constant 0 : i32
      %dma_wait3A_370 = tpu.memref_slice %arg10[%add3A_355, %dma_wait3A_369] : memref<10240x128xf32, #tpu.memory_space<vmem_shared>> -> memref<128x128xf32, #tpu.memory_space<vmem_shared>>
      %dma_wait3A_371 = arith.constant 0 : i32
      %dma_wait3A_372 = tpu.memref_slice %arg10[%add3A_355, %dma_wait3A_371] : memref<10240x128xf32, #tpu.memory_space<vmem_shared>> -> memref<128x128xf32, #tpu.memory_space<vmem_shared>>
      tpu.wait_dma2 semaphore(%run_scoped3A_364 : memref<!tpu.dma_semaphore, #tpu.memory_space<semaphore_mem>>) src(%dma_wait3A_372 : memref<128x128xf32, #tpu.memory_space<vmem_shared>>) dst(%arg8 : memref<128x128xf32, #tpu.memory_space<vmem>>)
      tpu.yield
    }) : () -> ()
    "tpu.region"() ({
      %run_scoped3A_364 = tpu.sem_alloc : memref<!tpu.dma_semaphore, #tpu.memory_space<semaphore_mem>>
      %dma_start3A_365 = arith.constant 0 : i32
      %dma_start3A_366 = tpu.memref_slice %arg4[%arg0, %add3A_355, %dma_start3A_365] : memref<2x10240x128xf32, #tpu.memory_space<hbm>> -> memref<1x128x128xf32, #tpu.memory_space<hbm>>
      %dma_start3A_367 = tpu.memref_squeeze %dma_start3A_366 : memref<1x128x128xf32, #tpu.memory_space<hbm>> -> memref<128x128xf32, #tpu.memory_space<hbm>>
      %dma_start3A_368 = arith.constant 0 : i32
      %dma_start3A_369 = tpu.memref_slice %arg4[%arg0, %add3A_355, %dma_start3A_368] : memref<2x10240x128xf32, #tpu.memory_space<hbm>> -> memref<1x128x128xf32, #tpu.memory_space<hbm>>
      %dma_start3A_370 = tpu.memref_squeeze %dma_start3A_369 : memref<1x128x128xf32, #tpu.memory_space<hbm>> -> memref<128x128xf32, #tpu.memory_space<hbm>>
      tpu.enqueue_dma source(%arg8 : memref<128x128xf32, #tpu.memory_space<vmem>>) target(%dma_start3A_370 : memref<128x128xf32, #tpu.memory_space<hbm>>) target_semaphore(%run_scoped3A_364 : memref<!tpu.dma_semaphore, #tpu.memory_space<semaphore_mem>>)
      %dma_wait3A_371 = arith.constant 0 : i32
      %dma_wait3A_372 = tpu.memref_slice %arg4[%arg0, %add3A_355, %dma_wait3A_371] : memref<2x10240x128xf32, #tpu.memory_space<hbm>> -> memref<1x128x128xf32, #tpu.memory_space<hbm>>
      %dma_wait3A_373 = tpu.memref_squeeze %dma_wait3A_372 : memref<1x128x128xf32, #tpu.memory_space<hbm>> -> memref<128x128xf32, #tpu.memory_space<hbm>>
      %dma_wait3A_374 = arith.constant 0 : i32
      %dma_wait3A_375 = tpu.memref_slice %arg4[%arg0, %add3A_355, %dma_wait3A_374] : memref<2x10240x128xf32, #tpu.memory_space<hbm>> -> memref<1x128x128xf32, #tpu.memory_space<hbm>>
      %dma_wait3A_376 = tpu.memref_squeeze %dma_wait3A_375 : memref<1x128x128xf32, #tpu.memory_space<hbm>> -> memref<128x128xf32, #tpu.memory_space<hbm>>
      tpu.wait_dma2 semaphore(%run_scoped3A_364 : memref<!tpu.dma_semaphore, #tpu.memory_space<semaphore_mem>>) src(%arg8 : memref<128x128xf32, #tpu.memory_space<vmem>>) dst(%dma_wait3A_376 : memref<128x128xf32, #tpu.memory_space<hbm>>)
      tpu.yield
    }) : () -> ()
    %add3A_356 = arith.constant 128 : i32
    %add3A_357 = arith.addi %mul3A_8, %add3A_356 : i32
    "tpu.region"() ({
      %run_scoped3A_364 = tpu.sem_alloc : memref<!tpu.dma_semaphore, #tpu.memory_space<semaphore_mem>>
      %dma_start3A_365 = arith.constant 0 : i32
      %dma_start3A_366 = tpu.memref_slice %arg10[%add3A_357, %dma_start3A_365] : memref<10240x128xf32, #tpu.memory_space<vmem_shared>> -> memref<128x128xf32, #tpu.memory_space<vmem_shared>>
      %dma_start3A_367 = arith.constant 0 : i32
      %dma_start3A_368 = tpu.memref_slice %arg10[%add3A_357, %dma_start3A_367] : memref<10240x128xf32, #tpu.memory_space<vmem_shared>> -> memref<128x128xf32, #tpu.memory_space<vmem_shared>>
      tpu.enqueue_dma source(%dma_start3A_368 : memref<128x128xf32, #tpu.memory_space<vmem_shared>>) target(%arg8 : memref<128x128xf32, #tpu.memory_space<vmem>>) target_semaphore(%run_scoped3A_364 : memref<!tpu.dma_semaphore, #tpu.memory_space<semaphore_mem>>)
      %dma_wait3A_369 = arith.constant 0 : i32
      %dma_wait3A_370 = tpu.memref_slice %arg10[%add3A_357, %dma_wait3A_369] : memref<10240x128xf32, #tpu.memory_space<vmem_shared>> -> memref<128x128xf32, #tpu.memory_space<vmem_shared>>
      %dma_wait3A_371 = arith.constant 0 : i32
      %dma_wait3A_372 = tpu.memref_slice %arg10[%add3A_357, %dma_wait3A_371] : memref<10240x128xf32, #tpu.memory_space<vmem_shared>> -> memref<128x128xf32, #tpu.memory_space<vmem_shared>>
      tpu.wait_dma2 semaphore(%run_scoped3A_364 : memref<!tpu.dma_semaphore, #tpu.memory_space<semaphore_mem>>) src(%dma_wait3A_372 : memref<128x128xf32, #tpu.memory_space<vmem_shared>>) dst(%arg8 : memref<128x128xf32, #tpu.memory_space<vmem>>)
      tpu.yield
    }) : () -> ()
    "tpu.region"() ({
      %run_scoped3A_364 = tpu.sem_alloc : memref<!tpu.dma_semaphore, #tpu.memory_space<semaphore_mem>>
      %dma_start3A_365 = arith.constant 0 : i32
      %dma_start3A_366 = tpu.memref_slice %arg4[%arg0, %add3A_357, %dma_start3A_365] : memref<2x10240x128xf32, #tpu.memory_space<hbm>> -> memref<1x128x128xf32, #tpu.memory_space<hbm>>
      %dma_start3A_367 = tpu.memref_squeeze %dma_start3A_366 : memref<1x128x128xf32, #tpu.memory_space<hbm>> -> memref<128x128xf32, #tpu.memory_space<hbm>>
      %dma_start3A_368 = arith.constant 0 : i32
      %dma_start3A_369 = tpu.memref_slice %arg4[%arg0, %add3A_357, %dma_start3A_368] : memref<2x10240x128xf32, #tpu.memory_space<hbm>> -> memref<1x128x128xf32, #tpu.memory_space<hbm>>
      %dma_start3A_370 = tpu.memref_squeeze %dma_start3A_369 : memref<1x128x128xf32, #tpu.memory_space<hbm>> -> memref<128x128xf32, #tpu.memory_space<hbm>>
      tpu.enqueue_dma source(%arg8 : memref<128x128xf32, #tpu.memory_space<vmem>>) target(%dma_start3A_370 : memref<128x128xf32, #tpu.memory_space<hbm>>) target_semaphore(%run_scoped3A_364 : memref<!tpu.dma_semaphore, #tpu.memory_space<semaphore_mem>>)
      %dma_wait3A_371 = arith.constant 0 : i32
      %dma_wait3A_372 = tpu.memref_slice %arg4[%arg0, %add3A_357, %dma_wait3A_371] : memref<2x10240x128xf32, #tpu.memory_space<hbm>> -> memref<1x128x128xf32, #tpu.memory_space<hbm>>
      %dma_wait3A_373 = tpu.memref_squeeze %dma_wait3A_372 : memref<1x128x128xf32, #tpu.memory_space<hbm>> -> memref<128x128xf32, #tpu.memory_space<hbm>>
      %dma_wait3A_374 = arith.constant 0 : i32
      %dma_wait3A_375 = tpu.memref_slice %arg4[%arg0, %add3A_357, %dma_wait3A_374] : memref<2x10240x128xf32, #tpu.memory_space<hbm>> -> memref<1x128x128xf32, #tpu.memory_space<hbm>>
      %dma_wait3A_376 = tpu.memref_squeeze %dma_wait3A_375 : memref<1x128x128xf32, #tpu.memory_space<hbm>> -> memref<128x128xf32, #tpu.memory_space<hbm>>
      tpu.wait_dma2 semaphore(%run_scoped3A_364 : memref<!tpu.dma_semaphore, #tpu.memory_space<semaphore_mem>>) src(%arg8 : memref<128x128xf32, #tpu.memory_space<vmem>>) dst(%dma_wait3A_376 : memref<128x128xf32, #tpu.memory_space<hbm>>)
      tpu.yield
    }) : () -> ()
    %add3A_358 = arith.constant 256 : i32
    %add3A_359 = arith.addi %mul3A_8, %add3A_358 : i32
    "tpu.region"() ({
      %run_scoped3A_364 = tpu.sem_alloc : memref<!tpu.dma_semaphore, #tpu.memory_space<semaphore_mem>>
      %dma_start3A_365 = arith.constant 0 : i32
      %dma_start3A_366 = tpu.memref_slice %arg10[%add3A_359, %dma_start3A_365] : memref<10240x128xf32, #tpu.memory_space<vmem_shared>> -> memref<128x128xf32, #tpu.memory_space<vmem_shared>>
      %dma_start3A_367 = arith.constant 0 : i32
      %dma_start3A_368 = tpu.memref_slice %arg10[%add3A_359, %dma_start3A_367] : memref<10240x128xf32, #tpu.memory_space<vmem_shared>> -> memref<128x128xf32, #tpu.memory_space<vmem_shared>>
      tpu.enqueue_dma source(%dma_start3A_368 : memref<128x128xf32, #tpu.memory_space<vmem_shared>>) target(%arg8 : memref<128x128xf32, #tpu.memory_space<vmem>>) target_semaphore(%run_scoped3A_364 : memref<!tpu.dma_semaphore, #tpu.memory_space<semaphore_mem>>)
      %dma_wait3A_369 = arith.constant 0 : i32
      %dma_wait3A_370 = tpu.memref_slice %arg10[%add3A_359, %dma_wait3A_369] : memref<10240x128xf32, #tpu.memory_space<vmem_shared>> -> memref<128x128xf32, #tpu.memory_space<vmem_shared>>
      %dma_wait3A_371 = arith.constant 0 : i32
      %dma_wait3A_372 = tpu.memref_slice %arg10[%add3A_359, %dma_wait3A_371] : memref<10240x128xf32, #tpu.memory_space<vmem_shared>> -> memref<128x128xf32, #tpu.memory_space<vmem_shared>>
      tpu.wait_dma2 semaphore(%run_scoped3A_364 : memref<!tpu.dma_semaphore, #tpu.memory_space<semaphore_mem>>) src(%dma_wait3A_372 : memref<128x128xf32, #tpu.memory_space<vmem_shared>>) dst(%arg8 : memref<128x128xf32, #tpu.memory_space<vmem>>)
      tpu.yield
    }) : () -> ()
    "tpu.region"() ({
      %run_scoped3A_364 = tpu.sem_alloc : memref<!tpu.dma_semaphore, #tpu.memory_space<semaphore_mem>>
      %dma_start3A_365 = arith.constant 0 : i32
      %dma_start3A_366 = tpu.memref_slice %arg4[%arg0, %add3A_359, %dma_start3A_365] : memref<2x10240x128xf32, #tpu.memory_space<hbm>> -> memref<1x128x128xf32, #tpu.memory_space<hbm>>
      %dma_start3A_367 = tpu.memref_squeeze %dma_start3A_366 : memref<1x128x128xf32, #tpu.memory_space<hbm>> -> memref<128x128xf32, #tpu.memory_space<hbm>>
      %dma_start3A_368 = arith.constant 0 : i32
      %dma_start3A_369 = tpu.memref_slice %arg4[%arg0, %add3A_359, %dma_start3A_368] : memref<2x10240x128xf32, #tpu.memory_space<hbm>> -> memref<1x128x128xf32, #tpu.memory_space<hbm>>
      %dma_start3A_370 = tpu.memref_squeeze %dma_start3A_369 : memref<1x128x128xf32, #tpu.memory_space<hbm>> -> memref<128x128xf32, #tpu.memory_space<hbm>>
      tpu.enqueue_dma source(%arg8 : memref<128x128xf32, #tpu.memory_space<vmem>>) target(%dma_start3A_370 : memref<128x128xf32, #tpu.memory_space<hbm>>) target_semaphore(%run_scoped3A_364 : memref<!tpu.dma_semaphore, #tpu.memory_space<semaphore_mem>>)
      %dma_wait3A_371 = arith.constant 0 : i32
      %dma_wait3A_372 = tpu.memref_slice %arg4[%arg0, %add3A_359, %dma_wait3A_371] : memref<2x10240x128xf32, #tpu.memory_space<hbm>> -> memref<1x128x128xf32, #tpu.memory_space<hbm>>
      %dma_wait3A_373 = tpu.memref_squeeze %dma_wait3A_372 : memref<1x128x128xf32, #tpu.memory_space<hbm>> -> memref<128x128xf32, #tpu.memory_space<hbm>>
      %dma_wait3A_374 = arith.constant 0 : i32
      %dma_wait3A_375 = tpu.memref_slice %arg4[%arg0, %add3A_359, %dma_wait3A_374] : memref<2x10240x128xf32, #tpu.memory_space<hbm>> -> memref<1x128x128xf32, #tpu.memory_space<hbm>>
      %dma_wait3A_376 = tpu.memref_squeeze %dma_wait3A_375 : memref<1x128x128xf32, #tpu.memory_space<hbm>> -> memref<128x128xf32, #tpu.memory_space<hbm>>
      tpu.wait_dma2 semaphore(%run_scoped3A_364 : memref<!tpu.dma_semaphore, #tpu.memory_space<semaphore_mem>>) src(%arg8 : memref<128x128xf32, #tpu.memory_space<vmem>>) dst(%dma_wait3A_376 : memref<128x128xf32, #tpu.memory_space<hbm>>)
      tpu.yield
    }) : () -> ()
    %add3A_360 = arith.constant 384 : i32
    %add3A_361 = arith.addi %mul3A_8, %add3A_360 : i32
    "tpu.region"() ({
      %run_scoped3A_364 = tpu.sem_alloc : memref<!tpu.dma_semaphore, #tpu.memory_space<semaphore_mem>>
      %dma_start3A_365 = arith.constant 0 : i32
      %dma_start3A_366 = tpu.memref_slice %arg10[%add3A_361, %dma_start3A_365] : memref<10240x128xf32, #tpu.memory_space<vmem_shared>> -> memref<128x128xf32, #tpu.memory_space<vmem_shared>>
      %dma_start3A_367 = arith.constant 0 : i32
      %dma_start3A_368 = tpu.memref_slice %arg10[%add3A_361, %dma_start3A_367] : memref<10240x128xf32, #tpu.memory_space<vmem_shared>> -> memref<128x128xf32, #tpu.memory_space<vmem_shared>>
      tpu.enqueue_dma source(%dma_start3A_368 : memref<128x128xf32, #tpu.memory_space<vmem_shared>>) target(%arg8 : memref<128x128xf32, #tpu.memory_space<vmem>>) target_semaphore(%run_scoped3A_364 : memref<!tpu.dma_semaphore, #tpu.memory_space<semaphore_mem>>)
      %dma_wait3A_369 = arith.constant 0 : i32
      %dma_wait3A_370 = tpu.memref_slice %arg10[%add3A_361, %dma_wait3A_369] : memref<10240x128xf32, #tpu.memory_space<vmem_shared>> -> memref<128x128xf32, #tpu.memory_space<vmem_shared>>
      %dma_wait3A_371 = arith.constant 0 : i32
      %dma_wait3A_372 = tpu.memref_slice %arg10[%add3A_361, %dma_wait3A_371] : memref<10240x128xf32, #tpu.memory_space<vmem_shared>> -> memref<128x128xf32, #tpu.memory_space<vmem_shared>>
      tpu.wait_dma2 semaphore(%run_scoped3A_364 : memref<!tpu.dma_semaphore, #tpu.memory_space<semaphore_mem>>) src(%dma_wait3A_372 : memref<128x128xf32, #tpu.memory_space<vmem_shared>>) dst(%arg8 : memref<128x128xf32, #tpu.memory_space<vmem>>)
      tpu.yield
    }) : () -> ()
    "tpu.region"() ({
      %run_scoped3A_364 = tpu.sem_alloc : memref<!tpu.dma_semaphore, #tpu.memory_space<semaphore_mem>>
      %dma_start3A_365 = arith.constant 0 : i32
      %dma_start3A_366 = tpu.memref_slice %arg4[%arg0, %add3A_361, %dma_start3A_365] : memref<2x10240x128xf32, #tpu.memory_space<hbm>> -> memref<1x128x128xf32, #tpu.memory_space<hbm>>
      %dma_start3A_367 = tpu.memref_squeeze %dma_start3A_366 : memref<1x128x128xf32, #tpu.memory_space<hbm>> -> memref<128x128xf32, #tpu.memory_space<hbm>>
      %dma_start3A_368 = arith.constant 0 : i32
      %dma_start3A_369 = tpu.memref_slice %arg4[%arg0, %add3A_361, %dma_start3A_368] : memref<2x10240x128xf32, #tpu.memory_space<hbm>> -> memref<1x128x128xf32, #tpu.memory_space<hbm>>
      %dma_start3A_370 = tpu.memref_squeeze %dma_start3A_369 : memref<1x128x128xf32, #tpu.memory_space<hbm>> -> memref<128x128xf32, #tpu.memory_space<hbm>>
      tpu.enqueue_dma source(%arg8 : memref<128x128xf32, #tpu.memory_space<vmem>>) target(%dma_start3A_370 : memref<128x128xf32, #tpu.memory_space<hbm>>) target_semaphore(%run_scoped3A_364 : memref<!tpu.dma_semaphore, #tpu.memory_space<semaphore_mem>>)
      %dma_wait3A_371 = arith.constant 0 : i32
      %dma_wait3A_372 = tpu.memref_slice %arg4[%arg0, %add3A_361, %dma_wait3A_371] : memref<2x10240x128xf32, #tpu.memory_space<hbm>> -> memref<1x128x128xf32, #tpu.memory_space<hbm>>
      %dma_wait3A_373 = tpu.memref_squeeze %dma_wait3A_372 : memref<1x128x128xf32, #tpu.memory_space<hbm>> -> memref<128x128xf32, #tpu.memory_space<hbm>>
      %dma_wait3A_374 = arith.constant 0 : i32
      %dma_wait3A_375 = tpu.memref_slice %arg4[%arg0, %add3A_361, %dma_wait3A_374] : memref<2x10240x128xf32, #tpu.memory_space<hbm>> -> memref<1x128x128xf32, #tpu.memory_space<hbm>>
      %dma_wait3A_376 = tpu.memref_squeeze %dma_wait3A_375 : memref<1x128x128xf32, #tpu.memory_space<hbm>> -> memref<128x128xf32, #tpu.memory_space<hbm>>
      tpu.wait_dma2 semaphore(%run_scoped3A_364 : memref<!tpu.dma_semaphore, #tpu.memory_space<semaphore_mem>>) src(%arg8 : memref<128x128xf32, #tpu.memory_space<vmem>>) dst(%dma_wait3A_376 : memref<128x128xf32, #tpu.memory_space<hbm>>)
      tpu.yield
    }) : () -> ()
    %add3A_362 = arith.constant 512 : i32
    %add3A_363 = arith.addi %mul3A_8, %add3A_362 : i32
    "tpu.region"() ({
      %run_scoped3A_364 = tpu.sem_alloc : memref<!tpu.dma_semaphore, #tpu.memory_space<semaphore_mem>>
      %dma_start3A_365 = arith.constant 0 : i32
      %dma_start3A_366 = tpu.memref_slice %arg10[%add3A_363, %dma_start3A_365] : memref<10240x128xf32, #tpu.memory_space<vmem_shared>> -> memref<128x128xf32, #tpu.memory_space<vmem_shared>>
      %dma_start3A_367 = arith.constant 0 : i32
      %dma_start3A_368 = tpu.memref_slice %arg10[%add3A_363, %dma_start3A_367] : memref<10240x128xf32, #tpu.memory_space<vmem_shared>> -> memref<128x128xf32, #tpu.memory_space<vmem_shared>>
      tpu.enqueue_dma source(%dma_start3A_368 : memref<128x128xf32, #tpu.memory_space<vmem_shared>>) target(%arg8 : memref<128x128xf32, #tpu.memory_space<vmem>>) target_semaphore(%run_scoped3A_364 : memref<!tpu.dma_semaphore, #tpu.memory_space<semaphore_mem>>)
      %dma_wait3A_369 = arith.constant 0 : i32
      %dma_wait3A_370 = tpu.memref_slice %arg10[%add3A_363, %dma_wait3A_369] : memref<10240x128xf32, #tpu.memory_space<vmem_shared>> -> memref<128x128xf32, #tpu.memory_space<vmem_shared>>
      %dma_wait3A_371 = arith.constant 0 : i32
      %dma_wait3A_372 = tpu.memref_slice %arg10[%add3A_363, %dma_wait3A_371] : memref<10240x128xf32, #tpu.memory_space<vmem_shared>> -> memref<128x128xf32, #tpu.memory_space<vmem_shared>>
      tpu.wait_dma2 semaphore(%run_scoped3A_364 : memref<!tpu.dma_semaphore, #tpu.memory_space<semaphore_mem>>) src(%dma_wait3A_372 : memref<128x128xf32, #tpu.memory_space<vmem_shared>>) dst(%arg8 : memref<128x128xf32, #tpu.memory_space<vmem>>)
      tpu.yield
    }) : () -> ()
    "tpu.region"() ({
      %run_scoped3A_364 = tpu.sem_alloc : memref<!tpu.dma_semaphore, #tpu.memory_space<semaphore_mem>>
      %dma_start3A_365 = arith.constant 0 : i32
      %dma_start3A_366 = tpu.memref_slice %arg4[%arg0, %add3A_363, %dma_start3A_365] : memref<2x10240x128xf32, #tpu.memory_space<hbm>> -> memref<1x128x128xf32, #tpu.memory_space<hbm>>
      %dma_start3A_367 = tpu.memref_squeeze %dma_start3A_366 : memref<1x128x128xf32, #tpu.memory_space<hbm>> -> memref<128x128xf32, #tpu.memory_space<hbm>>
      %dma_start3A_368 = arith.constant 0 : i32
      %dma_start3A_369 = tpu.memref_slice %arg4[%arg0, %add3A_363, %dma_start3A_368] : memref<2x10240x128xf32, #tpu.memory_space<hbm>> -> memref<1x128x128xf32, #tpu.memory_space<hbm>>
      %dma_start3A_370 = tpu.memref_squeeze %dma_start3A_369 : memref<1x128x128xf32, #tpu.memory_space<hbm>> -> memref<128x128xf32, #tpu.memory_space<hbm>>
      tpu.enqueue_dma source(%arg8 : memref<128x128xf32, #tpu.memory_space<vmem>>) target(%dma_start3A_370 : memref<128x128xf32, #tpu.memory_space<hbm>>) target_semaphore(%run_scoped3A_364 : memref<!tpu.dma_semaphore, #tpu.memory_space<semaphore_mem>>)
      %dma_wait3A_371 = arith.constant 0 : i32
      %dma_wait3A_372 = tpu.memref_slice %arg4[%arg0, %add3A_363, %dma_wait3A_371] : memref<2x10240x128xf32, #tpu.memory_space<hbm>> -> memref<1x128x128xf32, #tpu.memory_space<hbm>>
      %dma_wait3A_373 = tpu.memref_squeeze %dma_wait3A_372 : memref<1x128x128xf32, #tpu.memory_space<hbm>> -> memref<128x128xf32, #tpu.memory_space<hbm>>
      %dma_wait3A_374 = arith.constant 0 : i32
      %dma_wait3A_375 = tpu.memref_slice %arg4[%arg0, %add3A_363, %dma_wait3A_374] : memref<2x10240x128xf32, #tpu.memory_space<hbm>> -> memref<1x128x128xf32, #tpu.memory_space<hbm>>
      %dma_wait3A_376 = tpu.memref_squeeze %dma_wait3A_375 : memref<1x128x128xf32, #tpu.memory_space<hbm>> -> memref<128x128xf32, #tpu.memory_space<hbm>>
      tpu.wait_dma2 semaphore(%run_scoped3A_364 : memref<!tpu.dma_semaphore, #tpu.memory_space<semaphore_mem>>) src(%arg8 : memref<128x128xf32, #tpu.memory_space<vmem>>) dst(%dma_wait3A_376 : memref<128x128xf32, #tpu.memory_space<hbm>>)
      tpu.yield
    }) : () -> ()
    return
  }
}

module attributes {stable_mosaic.version = 14 : i64} {
  func.func @_mm_body(%arg0: i32, %arg1: memref<256x128xf32, #tpu.memory_space<vmem>>, %arg2: memref<128x128xf32, #tpu.memory_space<vmem>>, %arg3: memref<32x256xf32, #tpu.memory_space<vmem>>, %arg4: memref<256x128xf32, #tpu.memory_space<vmem>>, %arg5: memref<256x1xf32, #tpu.memory_space<vmem>>) attributes {dimension_semantics = [#tpu.dimension_semantics<arbitrary>], iteration_bounds = array<i64: 40>, scalar_prefetch = 0 : i64, scratch_operands = 0 : i64, tpu.core_type = #tpu.core_type<tc>, window_params = [{transform_indices = @transform_0, window_bounds = array<i64: 256, 128>}, {pipeline_mode = #tpu.pipeline_mode<synchronous>, transform_indices = @transform_1, window_bounds = array<i64: 128, 128>}, {transform_indices = @transform_2, window_bounds = array<i64: 32, 256>}, {transform_indices = @transform_3, window_bounds = array<i64: 256, 128>}, {transform_indices = @transform_4, window_bounds = array<i64: 256, 1>}]} {
    %get3A = arith.constant 0 : index
    %get3A_0 = arith.constant 0 : index
    %get3A_1 = vector.load %arg1[%get3A, %get3A_0] : memref<256x128xf32, #tpu.memory_space<vmem>>, vector<256x128xf32>
    %get3A_2 = arith.constant 0 : index
    %get3A_3 = arith.constant 0 : index
    %get3A_4 = vector.load %arg2[%get3A_2, %get3A_3] : memref<128x128xf32, #tpu.memory_space<vmem>>, vector<128x128xf32>
    %dot_general3A = arith.constant dense<0.000000e+00> : vector<256x128xf32>
    %dot_general3A_5 = tpu.matmul %get3A_1, %get3A_4, %dot_general3A {dimension_numbers = #tpu.dot_dimension_numbers<[1], [0], [0], [1], [0, 0, 1, 1], [], []>, transpose_lhs_hint = false} : vector<256x128xf32>, vector<128x128xf32>, vector<256x128xf32> -> vector<256x128xf32>
    %get3A_6 = arith.constant 0 : index
    %get3A_7 = arith.constant 0 : index
    %get3A_8 = vector.load %arg3[%get3A_6, %get3A_7] : memref<32x256xf32, #tpu.memory_space<vmem>>, vector<32x256xf32>
    %reduce_sum3A = arith.constant dense<0.000000e+00> : vector<256xf32>
    %reduce_sum3A_9 = vector.multi_reduction <add>, %get3A_8, %reduce_sum3A [0] : vector<32x256xf32> to vector<256xf32>
    %add3A = arith.constant 1.000000e+00 : f32
    %add3A_10 = vector.broadcast %add3A : f32 to vector<256xf32>
    %add3A_11 = arith.addf %reduce_sum3A_9, %add3A_10 : vector<256xf32>
    %rsqrt3A = math.rsqrt %add3A_11 : vector<256xf32>
    %broadcast_in_dim3A = vector.shape_cast %rsqrt3A : vector<256xf32> to vector<256x1xf32>
    %mul3A = vector.broadcast %broadcast_in_dim3A : vector<256x1xf32> to vector<256x128xf32>
    %mul3A_12 = arith.mulf %dot_general3A_5, %mul3A : vector<256x128xf32>
    %swap3A = arith.constant 0 : index
    %swap3A_13 = arith.constant 0 : index
    %swap3A_14 = vector.load %arg4[%swap3A, %swap3A_13] : memref<256x128xf32, #tpu.memory_space<vmem>>, vector<256x128xf32>
    tpu.vector_store %arg4[%swap3A, %swap3A_13], %mul3A_12 {strides = array<i32>} : memref<256x128xf32, #tpu.memory_space<vmem>>, vector<256x128xf32>,
    %broadcast_in_dim3A_15 = vector.shape_cast %rsqrt3A : vector<256xf32> to vector<256x1xf32>
    %swap3A_16 = arith.constant 0 : index
    %swap3A_17 = arith.constant 0 : index
    %swap3A_18 = vector.load %arg5[%swap3A_16, %swap3A_17] : memref<256x1xf32, #tpu.memory_space<vmem>>, vector<256x1xf32>
    tpu.vector_store %arg5[%swap3A_16, %swap3A_17], %broadcast_in_dim3A_15 {strides = array<i32>} : memref<256x1xf32, #tpu.memory_space<vmem>>, vector<256x1xf32>,
    return
  }
  func.func @transform_0(%arg0: i32) -> (i32, i32) {
    %c0_i32 = arith.constant 0 : i32
    %c0_i32_0 = arith.constant 0 : i32
    return %arg0, %c0_i32 : i32, i32
  }
  func.func @transform_1(%arg0: i32) -> (i32, i32) {
    %c0_i32 = arith.constant 0 : i32
    %c0_i32_0 = arith.constant 0 : i32
    %c0_i32_1 = arith.constant 0 : i32
    return %c0_i32, %c0_i32_0 : i32, i32
  }
  func.func @transform_2(%arg0: i32) -> (i32, i32) {
    %c0_i32 = arith.constant 0 : i32
    %c0_i32_0 = arith.constant 0 : i32
    return %c0_i32, %arg0 : i32, i32
  }
  func.func @transform_3(%arg0: i32) -> (i32, i32) {
    %c0_i32 = arith.constant 0 : i32
    %c0_i32_0 = arith.constant 0 : i32
    return %arg0, %c0_i32 : i32, i32
  }
  func.func @transform_4(%arg0: i32) -> (i32, i32) {
    %c0_i32 = arith.constant 0 : i32
    %c0_i32_0 = arith.constant 0 : i32
    return %arg0, %c0_i32 : i32, i32
  }
}

module attributes {stable_mosaic.version = 14 : i64} {
  func.func @_fin_body(%arg0: i32, %arg1: memref<256x128xf32, #tpu.memory_space<vmem>>, %arg2: memref<256x128xf32, #tpu.memory_space<vmem>>, %arg3: memref<256x1xf32, #tpu.memory_space<vmem>>, %arg4: memref<1x128xf32, #tpu.memory_space<vmem>>, %arg5: memref<256x128xf32, #tpu.memory_space<vmem>>) attributes {dimension_semantics = [#tpu.dimension_semantics<arbitrary>], iteration_bounds = array<i64: 40>, scalar_prefetch = 0 : i64, scratch_operands = 0 : i64, tpu.core_type = #tpu.core_type<tc>, window_params = [{transform_indices = @transform_0, window_bounds = array<i64: 256, 128>}, {transform_indices = @transform_1, window_bounds = array<i64: 256, 128>}, {transform_indices = @transform_2, window_bounds = array<i64: 256, 1>}, {pipeline_mode = #tpu.pipeline_mode<synchronous>, transform_indices = @transform_3, window_bounds = array<i64: 1, 128>}, {transform_indices = @transform_4, window_bounds = array<i64: 256, 128>}]} {
    %get3A = arith.constant 0 : index
    %get3A_0 = arith.constant 0 : index
    %get3A_1 = vector.load %arg1[%get3A, %get3A_0] : memref<256x128xf32, #tpu.memory_space<vmem>>, vector<256x128xf32>
    %get3A_2 = arith.constant 0 : index
    %get3A_3 = arith.constant 0 : index
    %get3A_4 = vector.load %arg2[%get3A_2, %get3A_3] : memref<256x128xf32, #tpu.memory_space<vmem>>, vector<256x128xf32>
    %add3A = arith.addf %get3A_1, %get3A_4 : vector<256x128xf32>
    %get3A_5 = arith.constant 0 : index
    %get3A_6 = arith.constant 0 : index
    %get3A_7 = vector.load %arg3[%get3A_5, %get3A_6] : memref<256x1xf32, #tpu.memory_space<vmem>>, vector<256x1xf32>
    %mul3A = vector.broadcast %get3A_7 : vector<256x1xf32> to vector<256x128xf32>
    %mul3A_8 = arith.mulf %add3A, %mul3A : vector<256x128xf32>
    %get3A_9 = arith.constant 0 : index
    %get3A_10 = arith.constant 0 : index
    %get3A_11 = vector.load %arg4[%get3A_9, %get3A_10] : memref<1x128xf32, #tpu.memory_space<vmem>>, vector<1x128xf32>
    %add3A_12 = vector.broadcast %get3A_11 : vector<1x128xf32> to vector<256x128xf32>
    %add3A_13 = arith.addf %mul3A_8, %add3A_12 : vector<256x128xf32>
    %max3A = arith.constant 0.000000e+00 : f32
    %max3A_14 = vector.broadcast %max3A : f32 to vector<256x128xf32>
    %max3A_15 = arith.maximumf %add3A_13, %max3A_14 : vector<256x128xf32>
    %swap3A = arith.constant 0 : index
    %swap3A_16 = arith.constant 0 : index
    %swap3A_17 = vector.load %arg5[%swap3A, %swap3A_16] : memref<256x128xf32, #tpu.memory_space<vmem>>, vector<256x128xf32>
    tpu.vector_store %arg5[%swap3A, %swap3A_16], %max3A_15 {strides = array<i32>} : memref<256x128xf32, #tpu.memory_space<vmem>>, vector<256x128xf32>,
    return
  }
  func.func @transform_0(%arg0: i32) -> (i32, i32) {
    %c0_i32 = arith.constant 0 : i32
    %c0_i32_0 = arith.constant 0 : i32
    return %arg0, %c0_i32 : i32, i32
  }
  func.func @transform_1(%arg0: i32) -> (i32, i32) {
    %c0_i32 = arith.constant 0 : i32
    %c0_i32_0 = arith.constant 0 : i32
    return %arg0, %c0_i32 : i32, i32
  }
  func.func @transform_2(%arg0: i32) -> (i32, i32) {
    %c0_i32 = arith.constant 0 : i32
    %c0_i32_0 = arith.constant 0 : i32
    return %arg0, %c0_i32 : i32, i32
  }
  func.func @transform_3(%arg0: i32) -> (i32, i32) {
    %c0_i32 = arith.constant 0 : i32
    %c0_i32_0 = arith.constant 0 : i32
    %c0_i32_1 = arith.constant 0 : i32
    return %c0_i32, %c0_i32_0 : i32, i32
  }
  func.func @transform_4(%arg0: i32) -> (i32, i32) {
    %c0_i32 = arith.constant 0 : i32
    %c0_i32_0 = arith.constant 0 : i32
    return %arg0, %c0_i32 : i32, i32
  }
}

</mosaic_0001>

<sc_bundles>
// kernel: kernel.6.cloned.1.call-start
scs
__scs_entry_jumppad:
0x0: {  	(pc) =	sbr.rel $0x88, $3  }
0x1: {  	(tag) =	ssettag $0x0;
	lr =	simm.s32 $0x1  }
0x2: {  	[smem:$0x3F9D] =	sst lr;
	_ =	strace $0xD0000000  }
0x3: {  	_ = 	snop  }
0x4: {  	_ = 	snop  }
0x5: {  	_ = 	snop  }
0x6: {  	_ = 	snop  }
0x7: {  	_ = 	snop  }
__scs_overlays_trampoline_lowered:
0x8: {  	[smem:$0x3FAC] =	sst s0  }
0x9: {  	[smem:$0x3FAD] =	sst s1  }
0xa: {  	[smem:$0x3FAE] =	sst s2  }
0xb: {  	[smem:$0x3FAF] =	sst s3  }
0xc: {  	[smem:$0x3FB0] =	sst s4  }
0xd: {  	[smem:$0x3FB1] =	sst s5  }
0xe: {  	[smem:$0x3FB2] =	sst s6  }
0xf: {  	[smem:$0x3FB3] =	sst s7  }
0x10: {  	[smem:$0x3FB4] =	sst s8  }
0x11: {  	[smem:$0x3FB5] =	sst s9;
	s0 =	simm.s32 @!p0 $0x0  }
0x12: {  	s1 =	sld [smem:$0x3F9B];
	s0 =	simm.s32 @p0 $0x1  }
0x13: {  	[smem:$0x3FB6] =	sst s0;
	s0 =	simm.s32 @!p1 $0x0  }
0x14: {  	s2 =	sld [smem:$0x3F9A];
	s0 =	simm.s32 @p1 $0x1  }
0x15: {  	[smem:$0x3FB7] =	sst s0;
	s0 =	simm.s32 @!p2 $0x0  }
0x16: {  	s3 =	sld [smem:$0x3FDB];
	s0 =	simm.s32 @p2 $0x1  }
0x17: {  	s4 =	simm.s32 $0x1BF5;
	[smem:$0x3FB9] =	sst s0  }
0x18: {  	s0 =	sld [smem:$0x3F9C];
	_ =	swait.ge [sflag:s4], $0x0  }
0x19: {  	s7 =	sld [smem:$0x3F9D]  }
0x1a: {  	s8 =	sadd.s32 $0xFFFFE003, lr  }
0x1b: {  	s9 =	sadd.s32 $0xFFFFFEF7, lr;
	s5 =	simm.s32 $0xFFFFFFFF;
	p2 =	slt.u32 s8, $0xFFFFF086  }
0x1c: {  	p1 =	slt.u32 s9, $0xF7A;
	s5 =	simm.s32 @!p2 $0x0  }
0x1d: {  	s5 =	simm.s32 @p1 $0x1;
	p0 =	seq.s32 s7, s2  }
0x1e: {  	s7 =	smul.u32 @!p0 $0xF7A, s2;
	p2 =	seq.s32 @!p0 s5, $0x0  }
0x1f: {  	s9 =	smul.u32 $0xF7A, s1;
	s8 =	simm.s32 @!p0 $0x1BF5;
	p2 =	por !p2, p0  }
0x20: {  	[sflag:s8] =	ssyncset.s32 @!p0 $0xFFFFF086;
	s6 =	sadd.s32 @!p0 s3, s7;
	s7 =	simm.s32 @!p0 $0x108  }
0x21: {  	s3 =	sadd.s32 s3, s9;
	s6 =	sadd.s32 @!p0 $0x88, s6;
	s7 =	simm.s32 @p2 $0x1082  }
0x22: {  	[simem:s7], [sflag:s8] =	dma.local @!p0 [hbm:s6], $0xF7A  }
0x23: {  	s9 =	sor.u32 $0xD0000000, s2;
	s6 =	simm.s32 $0x108;
	_ =	swait.ge @!p0 [sflag:s8], $0x0  }
0x24: {  	s3 =	sadd.s32 $0x88, s3;
	s6 =	simm.s32 @!p1 $0x1082;
	[sflag:s4] =	ssyncset.s32 $0xFFFFF086  }
0x25: {  	[simem:s6], [sflag:s4] =	dma.local [hbm:s3], $0xF7A  }
0x26: {  	[smem:$0x3F9D] =	sst s1;
	(tag) =	ssettag s2;
	_ =	strace s9  }
0x27: {  	s1 =	sld [smem:$0x3FAD]  }
0x28: {  	s2 =	sld [smem:$0x3FAE]  }
0x29: {  	s4 =	sld [smem:$0x3FB0]  }
0x2a: {  	p0 =	seq.s32 s5, $0x0;
	s5 =	sld [smem:$0x3FB1]  }
0x2b: {  	s6 =	sld [smem:$0x3FB2]  }
0x2c: {  	s7 =	sld [smem:$0x3FB3]  }
0x2d: {  	s3 =	simm.s32 $0x108;
	s8 =	sld [smem:$0x3FB4]  }
0x2e: {  	s3 =	simm.s32 @!p0 $0x1082;
	s9 =	sld [smem:$0x3FB5]  }
0x2f: {  	lr =	sadd.s32 s0, s3;
	s0 =	sld [smem:$0x3FAC]  }
0x30: {  	s3 =	sld [smem:$0x3FAF]  }
0x31: {  	[smem:$0x3FB8] =	sst s10  }
0x32: {  	s10 =	sld [smem:$0x3FB6];
	_ =	sdelay $0x3  }
0x33: {  	p0 =	seq.s32 s10, $0x1;
	s10 =	sld [smem:$0x3FB8];
	_ =	sdelay $0x3  }
0x34: {  	[smem:$0x3FB8] =	sst s10  }
0x35: {  	s10 =	sld [smem:$0x3FB7];
	_ =	sdelay $0x3  }
0x36: {  	p1 =	seq.s32 s10, $0x1;
	s10 =	sld [smem:$0x3FB8];
	_ =	sdelay $0x3  }
0x37: {  	[smem:$0x3FB8] =	sst s10  }
0x38: {  	s10 =	sld [smem:$0x3FB9]  }
0x39: {  	_ = 	snop;
	(pc) =	sbr.ind lr, $3  }
0x3a: {  	_ = 	snop  }
0x3b: {  	_ = 	snop  }
0x3c: {  	p2 =	seq.s32 s10, $0x1;
	s10 =	sld [smem:$0x3FB8]  }
0x3d: {  	_ =	shalt  }
0x3e: {  	_ =	shalt  }
0x3f: {  	_ =	shalt  }
0x40: {  	_ =	shalt  }
0x41: {  	_ =	shalt  }
0x42: {  	_ =	shalt  }
0x43: {  	_ =	shalt  }
0x44: {  	_ =	shalt  }
0x45: {  	_ =	shalt  }
0x46: {  	_ =	shalt  }
0x47: {  	_ =	shalt  }
0x48: {  	_ =	shalt  }
0x49: {  	_ =	shalt  }
0x4a: {  	_ =	shalt  }
0x4b: {  	_ =	shalt  }
0x4c: {  	_ =	shalt  }
0x4d: {  	_ =	shalt  }
0x4e: {  	_ =	shalt  }
0x4f: {  	_ =	shalt  }
0x50: {  	_ =	shalt  }
0x51: {  	_ =	shalt  }
0x52: {  	_ =	shalt  }
0x53: {  	_ =	shalt  }
0x54: {  	_ =	shalt  }
0x55: {  	_ =	shalt  }
0x56: {  	_ =	shalt  }
0x57: {  	_ =	shalt  }
0x58: {  	_ =	shalt  }
0x59: {  	_ =	shalt  }
0x5a: {  	_ =	shalt  }
0x5b: {  	_ =	shalt  }
0x5c: {  	_ =	shalt  }
0x5d: {  	_ =	shalt  }
0x5e: {  	_ =	shalt  }
0x5f: {  	_ =	shalt  }
0x60: {  	_ =	shalt  }
0x61: {  	_ =	shalt  }
0x62: {  	_ =	shalt  }
0x63: {  	_ =	shalt  }
0x64: {  	_ =	shalt  }
0x65: {  	_ =	shalt  }
0x66: {  	_ =	shalt  }
0x67: {  	_ =	shalt  }
0x68: {  	_ =	shalt  }
0x69: {  	_ =	shalt  }
0x6a: {  	_ =	shalt  }
0x6b: {  	_ =	shalt  }
0x6c: {  	_ =	shalt  }
0x6d: {  	_ =	shalt  }
0x6e: {  	_ =	shalt  }
0x6f: {  	_ =	shalt  }
0x70: {  	_ =	shalt  }
0x71: {  	_ =	shalt  }
0x72: {  	_ =	shalt  }
0x73: {  	_ =	shalt  }
0x74: {  	_ =	shalt  }
0x75: {  	_ =	shalt  }
0x76: {  	_ =	shalt  }
0x77: {  	_ =	shalt  }
0x78: {  	_ =	shalt  }
0x79: {  	_ =	shalt  }
0x7a: {  	_ =	shalt  }
0x7b: {  	_ =	shalt  }
0x7c: {  	_ =	shalt  }
0x7d: {  	_ =	shalt  }
0x7e: {  	_ =	shalt  }
0x7f: {  	_ =	shalt  }
0x80: {  	_ =	shalt  }
0x81: {  	_ =	shalt  }
0x82: {  	_ =	shalt  }
0x83: {  	_ =	shalt  }
0x84: {  	_ =	shalt  }
0x85: {  	_ =	shalt  }
0x86: {  	_ =	shalt  }
0x87: {  	_ =	shalt  }
.Lfunc_end0:
.L_simem_size_0:
called_computation_lowered:
.L_overlay_start_0:
0x88: {  	s2 =	sld [smem:$0x3FD9]  }
0x89: {  	s3 =	sld [smem:$0x3FFE];
	_ =	sdelay $0x1  }
0x8a: {  	s1 =	srdreg.scid  }
0x8b: {  	s0 =	sand.u32 $0x1, s1  }
0x8c: {  	s17 =	sshll.u32 s0, $0xA;
	s2 =	sadd.s32 s3, s2  }
0x8d: {  	s2 =	sadd.s32 s2, s17  }
0x8e: {  	[smem:$0x3FC4] =	sst s2  }
0x8f: {  	_ = 	snop  }
0x90: {  	s2 =	sld [smem:$0x3FD0];
	(tm) =	ssettm $0x1  }
0x91: {  	s18 =	sld [smem:$0x3FFB];
	_ =	sdelay $0x3  }
0x92: {  	_ =	strace s18  }
0x93: {  	s3 =	sld [smem:$0x3FFC];
	_ =	sdelay $0x3  }
0x94: {  	_ =	strace s3  }
0x95: {  	s3 =	sld [smem:$0x3FFD];
	_ =	sdelay $0x3  }
0x96: {  	_ =	strace s3  }
0x97: {  	_ =	strace $0x8FFFFFFF  }
0x98: {  	s19 =	sld [smem:$0x3FDB];
	_ =	sdelay $0x1  }
0x99: {  	s4 =	simm.s32 $_scs_section_size  }
0x9a: {  	s5 =	simm.s32 $_size__tile_overlayer_lowered;
	s6 =	simm.s32 $_tile_overlayer_lowered  }
0x9b: {  	s22 =	simm.s32 $0x1BFF;
	s21 =	sshll.u32 s6, $0x1;
	s3 =	sadd.s32 s4, s19  }
0x9c: {  	s7 =	simm.s32 $0x0;
	s20 =	sshll.u32 s5, $0x1;
	s5 =	sadd.s32 s21, s3  }
0x9d: {  	[timem:s7], [sflag:s22] =	dma.local [hbm:s5], s20  }
0x9e: {  	_ =	swait.ge [sflag:s22], s20  }
0x9f: {  	s4 =	ssub.s32 $0x0, s20;
	[sflag:s22] =	ssyncset.done $0x0  }
0xa0: {  	[sflag:s22] =	ssyncadd.s32 s4;
	_ =	sdelay $0x1  }
0xa1: {  	s23 =	simm.s32 $0x1B8B  }
0xa2: {  	_ =	swait.ge [sflag:s23], $0x1  }
0xa3: {  	[sflag:s23] =	ssyncset.done $0x0  }
0xa4: {  	s25 =	simm.s32 $0x1B8E;
	s24 =	sld [smem:$0x3FFE];
	[sflag:s23] =	ssyncadd.s32 $0xFFFFFFFF  }
0xa5: {  	s26 =	simm.s32 $execute0_lowered;
	[smem:$0x3FD2] =	sst s25  }
0xa6: {  	s5 =	sshll.u32 s26, $0x1;
	_ =	strace $0x80000046;
	[dreg:$0x1] =	wrdreg $0xFFFFFFFF  }
0xa7: {  	s28 =	simm.s32 $_size_execute0_lowered;
	s3 =	sadd.s32 s3, s5;
	[dreg:$0x0] =	wrdreg $0x0  }
0xa8: {  	s5 =	sshll.u32 s28, $0x1;
	[dreg:$0x2] =	wrdreg s3  }
0xa9: {  	[dreg:$0x3] =	wrdreg s5  }
0xaa: {  	[dreg:$0x4] =	wrdreg $0xC0  }
0xab: {  	_ =	task [dreg:s7], $0x5FFFF  }
0xac: {  	[dreg:$0x1] =	wrdreg $0xFFFFFFFF  }
0xad: {  	[dreg:$0x0] =	wrdreg $0x60  }
0xae: {  	[dreg:$0x2] =	wrdreg s2  }
0xaf: {  	[dreg:$0x3] =	wrdreg s24  }
0xb0: {  	[dreg:$0x4] =	wrdreg $0x9  }
0xb1: {  	_ =	task.clear_ibuf [dreg:s7], $0x5FFFF;
	_ =	strace $0x90000046  }
0xb2: {  	s29 =	simm.s32 $0x9;
	_ =	strace $0x80000048  }
0xb3: {  	_ =	swait.ge [sflag:s29], $0x1  }
0xb4: {  	[sflag:s29] =	ssyncadd.s32 $0xFFFFFFFF  }
0xb5: {  	_ =	strace $0x90000048  }
0xb6: {  	_ =	sfence  }
0xb7: {  	s30 =	sld [smem:$0x0];
	_ =	sdelay $0x2  }
0xb8: {  	s31 =	sshll.u32 s1, $0xD;
	s1 =	sshrl.u32 s1, $0x2  }
0xb9: {  	s3 =	sand.u32 $0x4000, s31;
	s1 =	sadd.s32 s1, s30  }
0xba: {  	s0 =	sor.u32 s3, s0;
	s1 =	sshll.u32 s1, $0x11  }
0xbb: {  	s0 =	sor.u32 s1, s0  }
0xbc: {  	s0 =	sadd.s32 $0x8F2B, s0  }
0xbd: {  	[sflag:s0] =	ssyncadd.remote.s32 $0x1  }
0xbe: {  	_ =	sfence.sel $0xFFFF  }
0xbf: {  	[dreg:$0x0] =	wrdreg $0xFFFFFFFF;
	(pc) =	sbr.abs _section_cstart, $3  }
0xc0: {  	[dreg:$0x1] =	wrdreg $0xFFFFFFFF  }
0xc1: {  	_ =	task.clear_ibuf [dreg:s7], $0x2FFFF;
	_ =	strace $0x9FFFFFFF  }
0xc2: {  	(tm) =	ssettm $0x7FFFFFFF  }
0xc3: {  	_ =	shalt  }
tec
execute0_lowered:
.L_overlay_start_1:
0x0: {  	(tag) =	ssettag $0x1  }
0x1: {  	s3 =	rddreg [dreg:$0x0];
	s1 =	srdreg.scid  }
0x2: {  	s0 =	stileid.u32;
	s4 =	rddreg [dreg:$0x1];
	s9 =	simm.s32 $0x400  }
0x3: {  	s5 =	sand.u32 $0x1, s1;
	s2 =	sshll.u32 s0, $0x1;
	s1 =	rddreg [dreg:$0x2]  }
0x4: {  	s7 =	sshrl.u32 s0, $0x2;
	s6 =	sor.u32 s5, s2;
	s2 =	simm.s32 $0x0  }
0x5: {  	s7 =	smul.u32 $0x14000, s7;
	s5 =	ssub.s32 $0x2, s5;
	s8 =	sshll.u32 s6, $0x7  }
0x6: {  	[smem:$0x7FF] =	sst s2;
	s6 =	smul.u32 $0x500, s6;
	s8 =	sand.u32 $0x380, s8  }
0x7: {  	s31 =	sshrl.u32 s5, $0x1;
	_ =	strace $0x80000047;
	s7 =	sor.u32 s7, s8  }
0x8: {  	s5 =	ssub.s32 s5, s31;
	s3 =	sadd.s32 s3, s6;
	s7 =	sshrl.u32 s7, $0x3  }
0x9: {  	s5 =	smax.u32 s5, $0x1;
	s6 =	simm.s32 $0x1;
	s4 =	sadd.s32 s7, s4  }
0xa: {  	v0 =	vimm.f32 $0.0e+00;
	v1 =	vimm.f32 $1.000000000e+00;
	s8 =	simm.s32 $0x80;
	s7 =	simm.s32 $0x2800;
	s4 =	sadd.s32 $0xB600, s4  }
.LBB2_1:
0xb: {  	s10 =	simm.s32 $0x40;
	s11 =	simm.s32 $0x0  }
.LBB2_2:
0xc: {  	p0 =	sne.s32 s10, $0x9FC0;
	[tilespmem:s11+$0x2800] =	vst v0;
	s11 =	smov.u32 s10;
	s10 =	sadd.s32 $0x40, s10  }
.Ltmp0:
0xd: {  	(pc) =	sbr.rel @p0 .LBB2_2-.Ltmp0, $2  }
0xe: {  	_ =	sdelay $0x2  }
0xf: {  	s11 =	sshra.s32 s11, $0x2  }
0x10: {  	[tilespmem:s11+$0x2800] =	vst v0;
	s10 =	simm.s32 $0x0  }
0x11: {  	[tilespmem:s10], [sflag:$0x1] =	stream.linear.gather [hbm4b:s3+s10], $0x2800, $0x38;
	[tilespmem:$0x5000] =	vst v63  }
0x12: {  	_ =	swait.ge [sflag:s6], $0x2800  }
0x13: {  	[sflag:s6] =	ssyncset.done $0x0  }
0x14: {  	s11 =	simm.s32 $0x0;
	s10 =	simm.s32 $0x40;
	[sflag:s6] =	ssyncadd.s32 $0xFFFFD800  }
.LBB2_4:
0x15: {  	p0 =	sne.s32 s10, $0x9FC0;
	v2 =	vld [tilespmem:s11+$0x0];
	_ =	sdelay $0x3  }
.Ltmp1:
0x16: {  	(pc) =	sbr.rel @p0 .LBB2_4-.Ltmp1, $2  }
0x17: {  	_ =	sdelay $0x2  }
0x18: {  	s11 =	sshra.s32 s10, $0x2;
	s10 =	sadd.s32 $0x40, s10;
	[tilespmem:v2+s7+$0x0] =	vst.idx.add.f32.msk $0xffff, v1  }
0x19: {  	v2 =	vld [tilespmem:s11+$0x0];
	_ =	sdelay $0x5  }
0x1a: {  	s2 =	sadd.s32 $0x1, s2  }
0x1b: {  	p0 =	sne.s32 s2, s5  }
.Ltmp2:
0x1c: {  	[tilespmem:v2+s7+$0x0] =	vst.idx.add.f32.msk $0xffff, v1;
	(pc) =	sbr.rel @p0 .LBB2_1-.Ltmp2, $4  }
0x1d: {  	[hbm4b:s4+s8] =	stream.strided.scatter [tilespmem:s7], [sflag:$0x1], $0x2800, s9, s8, $0x38;
	[tilespmem:$0x5000] =	vst v63  }
0x1e: {  	_ =	swait.ge [sflag:s6], $0x2800  }
0x1f: {  	[sflag:s6] =	ssyncset.done $0x0  }
0x20: {  	[sflag:s6] =	ssyncadd.s32 $0xFFFFD800  }
0x21: {  	_ =	sfence.sel $0x180000  }
0x22: {  	[bflag:$0x0] =	sbarrier.arrive $0xFFFF  }
0x23: {  	p0 =	sne.s32 s0, $0x0;
	_ =	strace $0x90000047  }
0x24: {  	s0 =	sadd.s32 @!p0 $0x100000, s1;
	[bflag:$0x2] =	sbarrier.arrive $0xFFFF  }
0x25: {  	[sflag:s0] =	ssyncadd.tile.s32 @!p0 $0x1;
	_ =	shalt  }
.Lfunc_end2:
_tile_overlayer_lowered:
.L_overlay_start_2:
0x26: {  	(tag) =	ssettag $0x2  }
0x27: {  	s0 =	rddreg [dreg:$0x0];
	s2 =	stileid.u32  }
0x28: {  	s1 =	rddreg [dreg:$0x1];
	p0 =	sne.s32 s2, $0x0  }
0x29: {  	s3 =	rddreg [dreg:$0x2];
	[bflag:$0x3] =	sbarrier.arrive $0xFFFF;
	s2 =	simm.s32 @!p0 $0x1C01  }
0x2a: {  	[timem:s3], [sflag:s2] =	dma.local @!p0 [hbm:s0], s1  }
0x2b: {  	s0 =	simm.s32 @!p0 $0x1  }
0x2c: {  	_ =	swait.ge @!p0 [sflag:s0], s1  }
0x2d: {  	s1 =	ssub.s32 @!p0 $0x0, s1;
	[sflag:s0] =	ssyncset.done @!p0 $0x0  }
0x2e: {  	[sflag:s0] =	ssyncadd.s32 @!p0 s1  }
0x2f: {  	[bflag:$0x3] =	sbarrier.arrive $0xFFFF  }
0x30: {  	_ =	shalt  }

// kernel: kernel.9.cloned.1.call-start
scs
__scs_entry_jumppad:
0x0: {  	(pc) =	sbr.rel $0x88, $3  }
0x1: {  	(tag) =	ssettag $0x0;
	lr =	simm.s32 $0x1  }
0x2: {  	[smem:$0x3F9D] =	sst lr;
	_ =	strace $0xD0000000  }
0x3: {  	_ = 	snop  }
0x4: {  	_ = 	snop  }
0x5: {  	_ = 	snop  }
0x6: {  	_ = 	snop  }
0x7: {  	_ = 	snop  }
__scs_overlays_trampoline_lowered:
0x8: {  	[smem:$0x3FAC] =	sst s0  }
0x9: {  	[smem:$0x3FAD] =	sst s1  }
0xa: {  	[smem:$0x3FAE] =	sst s2  }
0xb: {  	[smem:$0x3FAF] =	sst s3  }
0xc: {  	[smem:$0x3FB0] =	sst s4  }
0xd: {  	[smem:$0x3FB1] =	sst s5  }
0xe: {  	[smem:$0x3FB2] =	sst s6  }
0xf: {  	[smem:$0x3FB3] =	sst s7  }
0x10: {  	[smem:$0x3FB4] =	sst s8  }
0x11: {  	[smem:$0x3FB5] =	sst s9;
	s0 =	simm.s32 @!p0 $0x0  }
0x12: {  	s1 =	sld [smem:$0x3F9B];
	s0 =	simm.s32 @p0 $0x1  }
0x13: {  	[smem:$0x3FB6] =	sst s0;
	s0 =	simm.s32 @!p1 $0x0  }
0x14: {  	s2 =	sld [smem:$0x3F9A];
	s0 =	simm.s32 @p1 $0x1  }
0x15: {  	[smem:$0x3FB7] =	sst s0;
	s0 =	simm.s32 @!p2 $0x0  }
0x16: {  	s3 =	sld [smem:$0x3FDB];
	s0 =	simm.s32 @p2 $0x1  }
0x17: {  	s4 =	simm.s32 $0x1BF5;
	[smem:$0x3FB9] =	sst s0  }
0x18: {  	s0 =	sld [smem:$0x3F9C];
	_ =	swait.ge [sflag:s4], $0x0  }
0x19: {  	s7 =	sld [smem:$0x3F9D]  }
0x1a: {  	s8 =	sadd.s32 $0xFFFFE003, lr  }
0x1b: {  	s9 =	sadd.s32 $0xFFFFFEF7, lr;
	s5 =	simm.s32 $0xFFFFFFFF;
	p2 =	slt.u32 s8, $0xFFFFF086  }
0x1c: {  	p1 =	slt.u32 s9, $0xF7A;
	s5 =	simm.s32 @!p2 $0x0  }
0x1d: {  	s5 =	simm.s32 @p1 $0x1;
	p0 =	seq.s32 s7, s2  }
0x1e: {  	s7 =	smul.u32 @!p0 $0xF7A, s2;
	p2 =	seq.s32 @!p0 s5, $0x0  }
0x1f: {  	s9 =	smul.u32 $0xF7A, s1;
	s8 =	simm.s32 @!p0 $0x1BF5;
	p2 =	por !p2, p0  }
0x20: {  	[sflag:s8] =	ssyncset.s32 @!p0 $0xFFFFF086;
	s6 =	sadd.s32 @!p0 s3, s7;
	s7 =	simm.s32 @!p0 $0x108  }
0x21: {  	s3 =	sadd.s32 s3, s9;
	s6 =	sadd.s32 @!p0 $0x88, s6;
	s7 =	simm.s32 @p2 $0x1082  }
0x22: {  	[simem:s7], [sflag:s8] =	dma.local @!p0 [hbm:s6], $0xF7A  }
0x23: {  	s9 =	sor.u32 $0xD0000000, s2;
	s6 =	simm.s32 $0x108;
	_ =	swait.ge @!p0 [sflag:s8], $0x0  }
0x24: {  	s3 =	sadd.s32 $0x88, s3;
	s6 =	simm.s32 @!p1 $0x1082;
	[sflag:s4] =	ssyncset.s32 $0xFFFFF086  }
0x25: {  	[simem:s6], [sflag:s4] =	dma.local [hbm:s3], $0xF7A  }
0x26: {  	[smem:$0x3F9D] =	sst s1;
	(tag) =	ssettag s2;
	_ =	strace s9  }
0x27: {  	s1 =	sld [smem:$0x3FAD]  }
0x28: {  	s2 =	sld [smem:$0x3FAE]  }
0x29: {  	s4 =	sld [smem:$0x3FB0]  }
0x2a: {  	p0 =	seq.s32 s5, $0x0;
	s5 =	sld [smem:$0x3FB1]  }
0x2b: {  	s6 =	sld [smem:$0x3FB2]  }
0x2c: {  	s7 =	sld [smem:$0x3FB3]  }
0x2d: {  	s3 =	simm.s32 $0x108;
	s8 =	sld [smem:$0x3FB4]  }
0x2e: {  	s3 =	simm.s32 @!p0 $0x1082;
	s9 =	sld [smem:$0x3FB5]  }
0x2f: {  	lr =	sadd.s32 s0, s3;
	s0 =	sld [smem:$0x3FAC]  }
0x30: {  	s3 =	sld [smem:$0x3FAF]  }
0x31: {  	[smem:$0x3FB8] =	sst s10  }
0x32: {  	s10 =	sld [smem:$0x3FB6];
	_ =	sdelay $0x3  }
0x33: {  	p0 =	seq.s32 s10, $0x1;
	s10 =	sld [smem:$0x3FB8];
	_ =	sdelay $0x3  }
0x34: {  	[smem:$0x3FB8] =	sst s10  }
0x35: {  	s10 =	sld [smem:$0x3FB7];
	_ =	sdelay $0x3  }
0x36: {  	p1 =	seq.s32 s10, $0x1;
	s10 =	sld [smem:$0x3FB8];
	_ =	sdelay $0x3  }
0x37: {  	[smem:$0x3FB8] =	sst s10  }
0x38: {  	s10 =	sld [smem:$0x3FB9]  }
0x39: {  	_ = 	snop;
	(pc) =	sbr.ind lr, $3  }
0x3a: {  	_ = 	snop  }
0x3b: {  	_ = 	snop  }
0x3c: {  	p2 =	seq.s32 s10, $0x1;
	s10 =	sld [smem:$0x3FB8]  }
0x3d: {  	_ =	shalt  }
0x3e: {  	_ =	shalt  }
0x3f: {  	_ =	shalt  }
0x40: {  	_ =	shalt  }
0x41: {  	_ =	shalt  }
0x42: {  	_ =	shalt  }
0x43: {  	_ =	shalt  }
0x44: {  	_ =	shalt  }
0x45: {  	_ =	shalt  }
0x46: {  	_ =	shalt  }
0x47: {  	_ =	shalt  }
0x48: {  	_ =	shalt  }
0x49: {  	_ =	shalt  }
0x4a: {  	_ =	shalt  }
0x4b: {  	_ =	shalt  }
0x4c: {  	_ =	shalt  }
0x4d: {  	_ =	shalt  }
0x4e: {  	_ =	shalt  }
0x4f: {  	_ =	shalt  }
0x50: {  	_ =	shalt  }
0x51: {  	_ =	shalt  }
0x52: {  	_ =	shalt  }
0x53: {  	_ =	shalt  }
0x54: {  	_ =	shalt  }
0x55: {  	_ =	shalt  }
0x56: {  	_ =	shalt  }
0x57: {  	_ =	shalt  }
0x58: {  	_ =	shalt  }
0x59: {  	_ =	shalt  }
0x5a: {  	_ =	shalt  }
0x5b: {  	_ =	shalt  }
0x5c: {  	_ =	shalt  }
0x5d: {  	_ =	shalt  }
0x5e: {  	_ =	shalt  }
0x5f: {  	_ =	shalt  }
0x60: {  	_ =	shalt  }
0x61: {  	_ =	shalt  }
0x62: {  	_ =	shalt  }
0x63: {  	_ =	shalt  }
0x64: {  	_ =	shalt  }
0x65: {  	_ =	shalt  }
0x66: {  	_ =	shalt  }
0x67: {  	_ =	shalt  }
0x68: {  	_ =	shalt  }
0x69: {  	_ =	shalt  }
0x6a: {  	_ =	shalt  }
0x6b: {  	_ =	shalt  }
0x6c: {  	_ =	shalt  }
0x6d: {  	_ =	shalt  }
0x6e: {  	_ =	shalt  }
0x6f: {  	_ =	shalt  }
0x70: {  	_ =	shalt  }
0x71: {  	_ =	shalt  }
0x72: {  	_ =	shalt  }
0x73: {  	_ =	shalt  }
0x74: {  	_ =	shalt  }
0x75: {  	_ =	shalt  }
0x76: {  	_ =	shalt  }
0x77: {  	_ =	shalt  }
0x78: {  	_ =	shalt  }
0x79: {  	_ =	shalt  }
0x7a: {  	_ =	shalt  }
0x7b: {  	_ =	shalt  }
0x7c: {  	_ =	shalt  }
0x7d: {  	_ =	shalt  }
0x7e: {  	_ =	shalt  }
0x7f: {  	_ =	shalt  }
0x80: {  	_ =	shalt  }
0x81: {  	_ =	shalt  }
0x82: {  	_ =	shalt  }
0x83: {  	_ =	shalt  }
0x84: {  	_ =	shalt  }
0x85: {  	_ =	shalt  }
0x86: {  	_ =	shalt  }
0x87: {  	_ =	shalt  }
.Lfunc_end0:
.L_simem_size_0:
called_computation.1_lowered:
.L_overlay_start_0:
0x88: {  	s2 =	sld [smem:$0x3FD9]  }
0x89: {  	s3 =	sld [smem:$0x3FFE];
	_ =	sdelay $0x1  }
0x8a: {  	s1 =	srdreg.scid  }
0x8b: {  	s0 =	sand.u32 $0x1, s1  }
0x8c: {  	s16 =	sshll.u32 s0, $0xA;
	s2 =	sadd.s32 s3, s2  }
0x8d: {  	s2 =	sadd.s32 s2, s16  }
0x8e: {  	[smem:$0x3FC4] =	sst s2  }
0x8f: {  	_ = 	snop  }
0x90: {  	(tm) =	ssettm $0x1  }
0x91: {  	s17 =	sld [smem:$0x3FFB];
	_ =	sdelay $0x3  }
0x92: {  	_ =	strace s17  }
0x93: {  	s2 =	sld [smem:$0x3FFC];
	_ =	sdelay $0x3  }
0x94: {  	_ =	strace s2  }
0x95: {  	s2 =	sld [smem:$0x3FFD];
	_ =	sdelay $0x3  }
0x96: {  	_ =	strace s2  }
0x97: {  	_ =	strace $0x8FFFFFFF  }
0x98: {  	s18 =	sld [smem:$0x3FDB];
	_ =	sdelay $0x1  }
0x99: {  	s19 =	simm.s32 $_scs_section_size  }
0x9a: {  	s4 =	simm.s32 $_size__tile_overlayer_lowered;
	s5 =	simm.s32 $_tile_overlayer_lowered  }
0x9b: {  	s22 =	simm.s32 $0x1BFF;
	s21 =	sshll.u32 s5, $0x1;
	s2 =	sadd.s32 s19, s18  }
0x9c: {  	s6 =	simm.s32 $0x0;
	s20 =	sshll.u32 s4, $0x1;
	s4 =	sadd.s32 s21, s2  }
0x9d: {  	[timem:s6], [sflag:s22] =	dma.local [hbm:s4], s20  }
0x9e: {  	_ =	swait.ge [sflag:s22], s20  }
0x9f: {  	s3 =	ssub.s32 $0x0, s20;
	[sflag:s22] =	ssyncset.done $0x0  }
0xa0: {  	[sflag:s22] =	ssyncadd.s32 s3;
	_ =	sdelay $0x1  }
0xa1: {  	s23 =	simm.s32 $0x1B8B  }
0xa2: {  	_ =	swait.ge [sflag:s23], $0x1  }
0xa3: {  	[sflag:s23] =	ssyncset.done $0x0  }
0xa4: {  	s25 =	simm.s32 $0x1B8E;
	s24 =	sld [smem:$0x3FFE];
	[sflag:s23] =	ssyncadd.s32 $0xFFFFFFFF  }
0xa5: {  	s26 =	simm.s32 $execute0_lowered;
	[smem:$0x3FD2] =	sst s25  }
0xa6: {  	s4 =	sshll.u32 s26, $0x1;
	_ =	strace $0x80000049;
	[dreg:$0x1] =	wrdreg $0xFFFFFFFF  }
0xa7: {  	s28 =	simm.s32 $_size_execute0_lowered;
	s2 =	sadd.s32 s2, s4;
	[dreg:$0x0] =	wrdreg $0x0  }
0xa8: {  	s4 =	sshll.u32 s28, $0x1;
	[dreg:$0x2] =	wrdreg s2  }
0xa9: {  	[dreg:$0x3] =	wrdreg s4  }
0xaa: {  	[dreg:$0x4] =	wrdreg $0xC0  }
0xab: {  	_ =	task [dreg:s6], $0x5FFFF  }
0xac: {  	[dreg:$0x1] =	wrdreg $0xFFFFFFFF  }
0xad: {  	[dreg:$0x0] =	wrdreg $0x60  }
0xae: {  	[dreg:$0x2] =	wrdreg s24  }
0xaf: {  	[dreg:$0x3] =	wrdreg $0xAA000  }
0xb0: {  	[dreg:$0x4] =	wrdreg $0x9  }
0xb1: {  	_ =	task.clear_ibuf [dreg:s6], $0x5FFFF;
	_ =	strace $0x90000049  }
0xb2: {  	s29 =	simm.s32 $0x9;
	_ =	strace $0x8000004B  }
0xb3: {  	_ =	swait.ge [sflag:s29], $0x1  }
0xb4: {  	[sflag:s29] =	ssyncadd.s32 $0xFFFFFFFF  }
0xb5: {  	_ =	strace $0x9000004B  }
0xb6: {  	_ =	sfence  }
0xb7: {  	s30 =	sld [smem:$0x0];
	_ =	sdelay $0x2  }
0xb8: {  	s31 =	sshll.u32 s1, $0xD;
	s1 =	sshrl.u32 s1, $0x2  }
0xb9: {  	s3 =	sand.u32 $0x4000, s31;
	s1 =	sadd.s32 s1, s30  }
0xba: {  	s0 =	sor.u32 s3, s0;
	s1 =	sshll.u32 s1, $0x11  }
0xbb: {  	s0 =	sor.u32 s1, s0  }
0xbc: {  	s0 =	sadd.s32 $0x8F2B, s0  }
0xbd: {  	[sflag:s0] =	ssyncadd.remote.s32 $0x1  }
0xbe: {  	_ =	sfence.sel $0xFFFF  }
0xbf: {  	[dreg:$0x0] =	wrdreg $0xFFFFFFFF;
	(pc) =	sbr.abs _section_cstart, $3  }
0xc0: {  	[dreg:$0x1] =	wrdreg $0xFFFFFFFF  }
0xc1: {  	_ =	task.clear_ibuf [dreg:s6], $0x2FFFF;
	_ =	strace $0x9FFFFFFF  }
0xc2: {  	(tm) =	ssettm $0x7FFFFFFF  }
0xc3: {  	_ =	shalt  }
tec
execute0_lowered:
.L_overlay_start_1:
0x0: {  	(tag) =	ssettag $0x1  }
0x1: {  	s0 =	rddreg [dreg:$0x0]  }
0x2: {  	s1 =	srdreg.scid;
	s17 =	stileid.u32  }
0x3: {  	s2 =	rddreg [dreg:$0x1];
	s3 =	simm.s32 $0x0;
	s28 =	simm.s32 $0x2880  }
0x4: {  	s29 =	simm.s32 $0x6A00;
	s30 =	simm.s32 $0x2900;
	s8 =	smul.u32 $0x280, s17  }
0x5: {  	s31 =	simm.s32 $0x2;
	s1 =	sand.u32 $0x1, s1;
	s9 =	smul.u32 $0x50000, s17  }
0x6: {  	s4 =	sshll.u32 s17, $0x1;
	[smem:$0x7FF] =	sst s3;
	s14 =	smul.u32 $0x2800, s17  }
0x7: {  	s17 =	smul.u32 $0x14000, s17;
	s4 =	sor.u32 s1, s4;
	_ =	strace $0x8000004A  }
0x8: {  	s6 =	ssub.s32 $0x2, s1;
	s22 =	smul.u32 $0x140000, s1;
	p0 =	sne.s32 s1, $0x0  }
0x9: {  	s1 =	simm.s32 $0x2980;
	s4 =	smul.u32 $0x500, s4;
	s7 =	sshrl.u32 s6, $0x1  }
0xa: {  	s12 =	sadd.s32 $0x80, s8;
	s25 =	sshrl.u32 s9, $0x2;
	s26 =	sadd.s32 $0x100, s8  }
0xb: {  	s13 =	sadd.s32 $0x180, s8;
	s16 =	sadd.s32 $0x200, s8;
	s11 =	ssub.s32 s6, s7  }
0xc: {  	s15 =	sshll.u32 s12, $0x7;
	s6 =	sadd.s32 s25, s2;
	s19 =	sshll.u32 s26, $0x7  }
0xd: {  	s20 =	sshll.u32 s13, $0x7;
	s21 =	sshll.u32 s16, $0x7;
	s12 =	sshll.u32 s12, $0x4  }
0xe: {  	s13 =	sshll.u32 s13, $0x4;
	s16 =	sshll.u32 s16, $0x4;
	s17 =	sadd.s32 s17, s22  }
0xf: {  	s5 =	sadd.s32 s4, s0;
	s4 =	sadd.s32 $0xB600, s0;
	s0 =	sadd.s32 $0x33600, s0  }
0x10: {  	s7 =	sadd.s32 s15, s2;
	s8 =	sadd.s32 s19, s2;
	s9 =	sadd.s32 s20, s2  }
0x11: {  	s10 =	sadd.s32 s21, s2;
	s18 =	sadd.s32 s22, s15;
	s23 =	sshrl.u32 s17, $0x3  }
0x12: {  	s17 =	smax.u32 s11, $0x1;
	s24 =	sadd.s32 s22, s19;
	s25 =	sadd.s32 s22, s20  }
0x13: {  	s5 =	sadd.s32 $0x1600, s5;
	s14 =	sadd.s32 s4, s14;
	s12 =	sadd.s32 s4, s12  }
0x14: {  	s15 =	sadd.s32 s4, s16;
	s18 =	sshrl.u32 s18, $0x3;
	s16 =	sadd.s32 s0, s23  }
0x15: {  	s11 =	sshrl.u32 s25, $0x3;
	s23 =	simm.s32 $0x80;
	[dreg:$0x3] =	wrdreg s5  }
0x16: {  	s25 =	simm.s32 $0x2A00;
	[dreg:$0x4] =	wrdreg s14;
	s5 =	sshll.u32 s26, $0x4  }
0x17: {  	[dreg:$0x5] =	wrdreg s12;
	s14 =	sadd.s32 s4, s13;
	s18 =	sadd.s32 s0, s18  }
0x18: {  	s26 =	sadd.s32 s22, s21;
	s20 =	sadd.s32 s0, s11;
	s22 =	simm.s32 $0x3  }
0x19: {  	s5 =	sadd.s32 s4, s5;
	s21 =	sshrl.u32 s26, $0x3;
	s26 =	simm.s32 $0x1  }
0x1a: {  	[dreg:$0x6] =	wrdreg s5;
	s5 =	sshrl.u32 s24, $0x3;
	s21 =	sadd.s32 s0, s21  }
0x1b: {  	v0 =	vimm.f32 $0.0e+00;
	s24 =	simm.s32 $0x2800;
	s19 =	sadd.s32 s0, s5;
	s0 =	simm.s32 $0x0  }
.LBB2_1:
0x1c: {  	s5 =	rddreg [dreg:$0x3]  }
0x1d: {  	[tilespmem:s3], [sflag:$0x3] =	stream.linear.gather [hbm4b:s5+s3], $0x2800, $0x38;
	[tilespmem:$0x1EA00] =	vst v63  }
0x1e: {  	_ =	swait.ge [sflag:s22], $0x2800  }
0x1f: {  	[sflag:s22] =	ssyncset.done $0x0  }
0x20: {  	s11 =	simm.s32 $0x200;
	s5 =	simm.s32 $0x0;
	[sflag:s22] =	ssyncadd.s32 $0xFFFFD800  }
.LBB2_2:
0x21: {  	p1 =	sne.s32 s11, $0xFE00;
	[tilespmem:s5+$0x2A70] =	vst v0  }
0x22: {  	[tilespmem:s5+$0x2A00] =	vst v0  }
0x23: {  	[tilespmem:s5+$0x2A10] =	vst v0  }
.Ltmp0:
0x24: {  	[tilespmem:s5+$0x2A20] =	vst v0;
	(pc) =	sbr.rel @p1 .LBB2_2-.Ltmp0, $4  }
0x25: {  	[tilespmem:s5+$0x2A30] =	vst v0  }
0x26: {  	[tilespmem:s5+$0x2A40] =	vst v0  }
0x27: {  	[tilespmem:s5+$0x2A50] =	vst v0  }
0x28: {  	[tilespmem:s5+$0x2A60] =	vst v0;
	s5 =	sshra.s32 s11, $0x2;
	s11 =	sadd.s32 $0x200, s11  }
0x29: {  	[tilespmem:s5+$0x2A70] =	vst v0  }
0x2a: {  	[tilespmem:s5+$0x2A00] =	vst v0  }
0x2b: {  	[tilespmem:s5+$0x2A10] =	vst v0  }
0x2c: {  	[tilespmem:s5+$0x2A20] =	vst v0  }
0x2d: {  	[tilespmem:s5+$0x2A30] =	vst v0  }
0x2e: {  	[tilespmem:s5+$0x2A40] =	vst v0  }
0x2f: {  	[tilespmem:s5+$0x2A50] =	vst v0  }
0x30: {  	[tilespmem:s5+$0x2A60] =	vst v0;
	s5 =	simm.s32 @p0 $0x2A00;
	s11 =	simm.s32 @p0 $0x3  }
0x31: {  	[spmem:s6] =	stream.linear.scatter @p0 [tilespmem:s5], [sflag:$0x3], $0x4000, $0x38;
	[tilespmem:$0x1EA00] =	vst v63  }
0x32: {  	_ =	swait.ge @p0 [sflag:s11], $0x4000  }
0x33: {  	[sflag:s11] =	ssyncset.done @p0 $0x0  }
0x34: {  	[sflag:s11] =	ssyncadd.s32 @p0 $0xFFFFC000  }
0x35: {  	[spmem:s7] =	stream.linear.scatter @p0 [tilespmem:s5], [sflag:$0x3], $0x4000, $0x38;
	[tilespmem:$0x1EA00] =	vst v63  }
0x36: {  	_ =	swait.ge @p0 [sflag:s11], $0x4000  }
0x37: {  	[sflag:s11] =	ssyncset.done @p0 $0x0  }
0x38: {  	[sflag:s11] =	ssyncadd.s32 @p0 $0xFFFFC000  }
0x39: {  	[spmem:s8] =	stream.linear.scatter @p0 [tilespmem:s5], [sflag:$0x3], $0x4000, $0x38;
	[tilespmem:$0x1EA00] =	vst v63  }
0x3a: {  	_ =	swait.ge @p0 [sflag:s11], $0x4000  }
0x3b: {  	[sflag:s11] =	ssyncset.done @p0 $0x0  }
0x3c: {  	[sflag:s11] =	ssyncadd.s32 @p0 $0xFFFFC000  }
0x3d: {  	[spmem:s9] =	stream.linear.scatter @p0 [tilespmem:s5], [sflag:$0x3], $0x4000, $0x38;
	[tilespmem:$0x1EA00] =	vst v63  }
0x3e: {  	_ =	swait.ge @p0 [sflag:s11], $0x4000  }
0x3f: {  	[sflag:s11] =	ssyncset.done @p0 $0x0  }
0x40: {  	[sflag:s11] =	ssyncadd.s32 @p0 $0xFFFFC000  }
0x41: {  	[spmem:s10] =	stream.linear.scatter @p0 [tilespmem:s5], [sflag:$0x3], $0x4000, $0x38;
	[tilespmem:$0x1EA00] =	vst v63  }
0x42: {  	s5 =	stileid.u32  }
0x43: {  	_ =	swait.ge @p0 [sflag:s11], $0x4000;
	s5 =	sshll.u32 @!p0 s5, $0x6  }
0x44: {  	[sflag:s11] =	ssyncset.done @p0 $0x0;
	s5 =	sor.u32 @!p0 $0x1C03, s5  }
0x45: {  	s12 =	rddreg [dreg:$0x4];
	[sflag:s11] =	ssyncadd.s32 @p0 $0xFFFFC000;
	s11 =	sshrl.u32 @!p0 s6, $0x3  }
0x46: {  	[spmem:s11], [sflag:s5] =	dma.local @!p0 [hbm:s12], $0x800  }
0x47: {  	s11 =	simm.s32 @!p0 $0x3  }
0x48: {  	_ =	swait.ge @!p0 [sflag:s11], $0x800  }
0x49: {  	[sflag:s11] =	ssyncset.done @!p0 $0x0  }
0x4a: {  	s12 =	sshrl.u32 @!p0 s7, $0x3;
	s13 =	rddreg [dreg:$0x5];
	[sflag:s11] =	ssyncadd.s32 @!p0 $0xFFFFF800  }
0x4b: {  	[spmem:s12], [sflag:s5] =	dma.local @!p0 [hbm:s13], $0x800  }
0x4c: {  	_ =	swait.ge @!p0 [sflag:s11], $0x800  }
0x4d: {  	[sflag:s11] =	ssyncset.done @!p0 $0x0  }
0x4e: {  	s12 =	sshrl.u32 @!p0 s8, $0x3;
	s13 =	rddreg [dreg:$0x6];
	[sflag:s11] =	ssyncadd.s32 @!p0 $0xFFFFF800  }
0x4f: {  	[spmem:s12], [sflag:s5] =	dma.local @!p0 [hbm:s13], $0x800  }
0x50: {  	_ =	swait.ge @!p0 [sflag:s11], $0x800  }
0x51: {  	[sflag:s11] =	ssyncset.done @!p0 $0x0  }
0x52: {  	s12 =	sshrl.u32 @!p0 s9, $0x3;
	[sflag:s11] =	ssyncadd.s32 @!p0 $0xFFFFF800  }
0x53: {  	[spmem:s12], [sflag:s5] =	dma.local @!p0 [hbm:s14], $0x800  }
0x54: {  	_ =	swait.ge @!p0 [sflag:s11], $0x800  }
0x55: {  	[sflag:s11] =	ssyncset.done @!p0 $0x0  }
0x56: {  	s12 =	sshrl.u32 @!p0 s10, $0x3;
	[sflag:s11] =	ssyncadd.s32 @!p0 $0xFFFFF800  }
0x57: {  	[spmem:s12], [sflag:s5] =	dma.local @!p0 [hbm:s15], $0x800  }
0x58: {  	_ =	swait.ge @!p0 [sflag:s11], $0x800  }
0x59: {  	[sflag:s11] =	ssyncset.done @!p0 $0x0  }
0x5a: {  	[sflag:s11] =	ssyncadd.s32 @!p0 $0xFFFFF800  }
0x5b: {  	v1 =	vld [tilespmem:$0x0];
	_ =	sdelay $0x1  }
0x5c: {  	v2 =	vld [tilespmem:$0x10];
	_ =	sdelay $0x1  }
0x5d: {  	v3 =	vld [tilespmem:$0x20]  }
0x5e: {  	v4 =	vshrl.u32 v1, $0xE  }
0x5f: {  	v59 =	vld [tilespmem:$0x30];
	v1 =	vand.u32 $0x3FFF, v1;
	[tilespmem:$0x2800] =	vst v4  }
0x60: {  	[tilespmem:$0x2900] =	vst v1;
	v1 =	vshrl.u32 v2, $0xE  }
0x61: {  	[tilespmem:$0x2810] =	vst v1;
	v1 =	vand.u32 $0x3FFF, v2;
	v2 =	vld [tilespmem:$0x40]  }
0x62: {  	[tilespmem:$0x2910] =	vst v1;
	v1 =	vshrl.u32 v3, $0xE  }
0x63: {  	[tilespmem:$0x2820] =	vst v1;
	v1 =	vand.u32 $0x3FFF, v3;
	v3 =	vld [tilespmem:$0x50]  }
0x64: {  	[tilespmem:$0x2920] =	vst v1;
	v1 =	vshrl.u32 v59, $0xE  }
0x65: {  	v60 =	vld [tilespmem:$0x60];
	[tilespmem:$0x2830] =	vst v1;
	v1 =	vand.u32 $0x3FFF, v59  }
0x66: {  	[tilespmem:$0x2930] =	vst v1;
	v1 =	vshrl.u32 v2, $0xE  }
0x67: {  	[tilespmem:$0x2840] =	vst v1;
	v1 =	vand.u32 $0x3FFF, v2;
	v2 =	vld [tilespmem:$0x70]  }
0x68: {  	[tilespmem:$0x2940] =	vst v1;
	v1 =	vshrl.u32 v3, $0xE  }
0x69: {  	[tilespmem:$0x2850] =	vst v1;
	v1 =	vand.u32 $0x3FFF, v3  }
0x6a: {  	[tilespmem:$0x2950] =	vst v1;
	v1 =	vshrl.u32 v60, $0xE  }
0x6b: {  	[tilespmem:$0x2860] =	vst v1;
	v1 =	vand.u32 $0x3FFF, v60  }
0x6c: {  	[tilespmem:$0x2960] =	vst v1;
	v1 =	vshrl.u32 v2, $0xE  }
0x6d: {  	[tilespmem:$0x2870] =	vst v1;
	v1 =	vand.u32 $0x3FFF, v2  }
0x6e: {  	[tilespmem:$0x2970] =	vst v1  }
0x6f: {  	[tilespmem:s25], [sflag:$0x1] =	stream.indirect.gather [hbm4b:s4+s23], $0x80, s24, s23, $0xb8;
	[tilespmem:$0x1EA00] =	vst v63  }
0x70: {  	[bflag:$0x0] =	sbarrier.arrive $0xFFFF  }
0x71: {  	v1 =	vld [tilespmem:$0x80];
	_ =	sdelay $0x1  }
0x72: {  	v2 =	vld [tilespmem:$0x90];
	_ =	sdelay $0x1  }
0x73: {  	v3 =	vld [tilespmem:$0xA0]  }
0x74: {  	v61 =	vshrl.u32 v1, $0xE  }
0x75: {  	v62 =	vld [tilespmem:$0xB0];
	v1 =	vand.u32 $0x3FFF, v1;
	[tilespmem:$0x2880] =	vst v61  }
0x76: {  	[tilespmem:$0x2980] =	vst v1;
	v1 =	vshrl.u32 v2, $0xE  }
0x77: {  	[tilespmem:$0x2890] =	vst v1;
	v1 =	vand.u32 $0x3FFF, v2;
	v2 =	vld [tilespmem:$0xC0]  }
0x78: {  	[tilespmem:$0x2990] =	vst v1;
	v1 =	vshrl.u32 v3, $0xE  }
0x79: {  	[tilespmem:$0x28A0] =	vst v1;
	v1 =	vand.u32 $0x3FFF, v3;
	v3 =	vld [tilespmem:$0xD0]  }
0x7a: {  	[tilespmem:$0x29A0] =	vst v1;
	v1 =	vshrl.u32 v62, $0xE  }
0x7b: {  	v63 =	vld [tilespmem:$0xE0];
	[tilespmem:$0x28B0] =	vst v1;
	v1 =	vand.u32 $0x3FFF, v62  }
0x7c: {  	[tilespmem:$0x29B0] =	vst v1;
	v1 =	vshrl.u32 v2, $0xE  }
0x7d: {  	[tilespmem:$0x28C0] =	vst v1;
	v1 =	vand.u32 $0x3FFF, v2;
	v2 =	vld [tilespmem:$0xF0]  }
0x7e: {  	[tilespmem:$0x29C0] =	vst v1;
	v1 =	vshrl.u32 v3, $0xE  }
0x7f: {  	[tilespmem:$0x28D0] =	vst v1;
	v1 =	vand.u32 $0x3FFF, v3  }
0x80: {  	[tilespmem:$0x29D0] =	vst v1;
	v1 =	vshrl.u32 v63, $0xE  }
0x81: {  	[tilespmem:$0x28E0] =	vst v1;
	v1 =	vand.u32 $0x3FFF, v63  }
0x82: {  	[tilespmem:$0x29E0] =	vst v1;
	v1 =	vshrl.u32 v2, $0xE  }
0x83: {  	[tilespmem:$0x28F0] =	vst v1;
	v1 =	vand.u32 $0x3FFF, v2  }
0x84: {  	[tilespmem:$0x29F0] =	vst v1  }
0x85: {  	_ =	swait.ge [sflag:s26], $0x4000  }
0x86: {  	[sflag:s26] =	ssyncset.done $0x0  }
0x87: {  	[sflag:s26] =	ssyncadd.s32 $0xFFFFC000  }
0x88: {  	[tilespmem:s29], [sflag:$0x2] =	stream.indirect.gather [hbm4b:s4+s23], $0x80, s28, s23, $0xb8;
	[tilespmem:$0x1EA00] =	vst v63  }
0x89: {  	_ = 	snop  }
0x8a: {  	[spmem:s2] =	stream.indirect.scatter.add.f32 [tilespmem:s25], [sflag:$0x3], $0x80, s30, s23, $0xb8;
	[tilespmem:$0x1EA00] =	vst v63  }
0x8b: {  	_ =	swait.ge [sflag:s22], $0x4000  }
0x8c: {  	[sflag:s22] =	ssyncset.done $0x0  }
0x8d: {  	s5 =	simm.s32 $0x1F0;
	[sflag:s22] =	ssyncadd.s32 $0xFFFFC000  }
0x8e: {  	v1 =	vld [tilespmem:s5+$0xFFFFFF10];
	_ =	sdelay $0x4  }
0x8f: {  	v2 =	vshrl.u32 v1, $0xE  }
0x90: {  	v1 =	vand.u32 $0x3FFF, v1;
	[tilespmem:$0x2800] =	vst v2  }
0x91: {  	[tilespmem:$0x2900] =	vst v1  }
0x92: {  	v1 =	vld [tilespmem:s5+$0xFFFFFF20];
	_ =	sdelay $0x4  }
0x93: {  	v2 =	vshrl.u32 v1, $0xE  }
0x94: {  	v1 =	vand.u32 $0x3FFF, v1;
	[tilespmem:$0x2810] =	vst v2  }
0x95: {  	[tilespmem:$0x2910] =	vst v1  }
0x96: {  	v1 =	vld [tilespmem:s5+$0xFFFFFF30];
	_ =	sdelay $0x4  }
0x97: {  	v2 =	vshrl.u32 v1, $0xE  }
0x98: {  	v1 =	vand.u32 $0x3FFF, v1;
	[tilespmem:$0x2820] =	vst v2  }
0x99: {  	[tilespmem:$0x2920] =	vst v1  }
0x9a: {  	v1 =	vld [tilespmem:s5+$0xFFFFFF40];
	_ =	sdelay $0x4  }
0x9b: {  	v2 =	vshrl.u32 v1, $0xE  }
0x9c: {  	v1 =	vand.u32 $0x3FFF, v1;
	[tilespmem:$0x2830] =	vst v2  }
0x9d: {  	[tilespmem:$0x2930] =	vst v1  }
0x9e: {  	v1 =	vld [tilespmem:s5+$0xFFFFFF50];
	_ =	sdelay $0x4  }
0x9f: {  	v2 =	vshrl.u32 v1, $0xE  }
0xa0: {  	v1 =	vand.u32 $0x3FFF, v1;
	[tilespmem:$0x2840] =	vst v2  }
0xa1: {  	[tilespmem:$0x2940] =	vst v1  }
0xa2: {  	v1 =	vld [tilespmem:s5+$0xFFFFFF60];
	_ =	sdelay $0x4  }
0xa3: {  	v2 =	vshrl.u32 v1, $0xE  }
0xa4: {  	v1 =	vand.u32 $0x3FFF, v1;
	[tilespmem:$0x2850] =	vst v2  }
0xa5: {  	[tilespmem:$0x2950] =	vst v1  }
0xa6: {  	v1 =	vld [tilespmem:s5+$0xFFFFFF70];
	_ =	sdelay $0x4  }
0xa7: {  	v2 =	vshrl.u32 v1, $0xE  }
0xa8: {  	v1 =	vand.u32 $0x3FFF, v1;
	[tilespmem:$0x2860] =	vst v2  }
0xa9: {  	[tilespmem:$0x2960] =	vst v1  }
0xaa: {  	v1 =	vld [tilespmem:s5+$0xFFFFFF80];
	_ =	sdelay $0x4  }
0xab: {  	v2 =	vshrl.u32 v1, $0xE  }
0xac: {  	v1 =	vand.u32 $0x3FFF, v1;
	[tilespmem:$0x2870] =	vst v2  }
0xad: {  	[tilespmem:$0x2970] =	vst v1  }
0xae: {  	_ =	swait.ge [sflag:s31], $0x4000  }
0xaf: {  	[sflag:s31] =	ssyncset.done $0x0  }
0xb0: {  	[sflag:s31] =	ssyncadd.s32 $0xFFFFC000  }
0xb1: {  	[tilespmem:s25], [sflag:$0x1] =	stream.indirect.gather [hbm4b:s4+s23], $0x80, s24, s23, $0xb8;
	[tilespmem:$0x1EA00] =	vst v63  }
0xb2: {  	_ = 	snop  }
0xb3: {  	[spmem:s2] =	stream.indirect.scatter.add.f32 [tilespmem:s29], [sflag:$0x3], $0x80, s1, s23, $0xb8;
	[tilespmem:$0x1EA00] =	vst v63  }
0xb4: {  	_ =	swait.ge [sflag:s22], $0x4000  }
0xb5: {  	[sflag:s22] =	ssyncset.done $0x0  }
0xb6: {  	[sflag:s22] =	ssyncadd.s32 $0xFFFFC000  }
0xb7: {  	v1 =	vld [tilespmem:s5+$0xFFFFFF90];
	_ =	sdelay $0x4  }
0xb8: {  	v2 =	vshrl.u32 v1, $0xE  }
0xb9: {  	v1 =	vand.u32 $0x3FFF, v1;
	[tilespmem:$0x2880] =	vst v2  }
0xba: {  	[tilespmem:$0x2980] =	vst v1  }
0xbb: {  	v1 =	vld [tilespmem:s5+$0xFFFFFFA0];
	_ =	sdelay $0x4  }
0xbc: {  	v2 =	vshrl.u32 v1, $0xE  }
0xbd: {  	v1 =	vand.u32 $0x3FFF, v1;
	[tilespmem:$0x2890] =	vst v2  }
0xbe: {  	[tilespmem:$0x2990] =	vst v1  }
0xbf: {  	v1 =	vld [tilespmem:s5+$0xFFFFFFB0];
	_ =	sdelay $0x4  }
0xc0: {  	v2 =	vshrl.u32 v1, $0xE  }
0xc1: {  	v1 =	vand.u32 $0x3FFF, v1;
	[tilespmem:$0x28A0] =	vst v2  }
0xc2: {  	[tilespmem:$0x29A0] =	vst v1  }
0xc3: {  	v1 =	vld [tilespmem:s5+$0xFFFFFFC0];
	_ =	sdelay $0x4  }
0xc4: {  	v2 =	vshrl.u32 v1, $0xE  }
0xc5: {  	v1 =	vand.u32 $0x3FFF, v1;
	[tilespmem:$0x28B0] =	vst v2  }
0xc6: {  	[tilespmem:$0x29B0] =	vst v1  }
0xc7: {  	v1 =	vld [tilespmem:s5+$0xFFFFFFD0];
	_ =	sdelay $0x4  }
0xc8: {  	v2 =	vshrl.u32 v1, $0xE  }
0xc9: {  	v1 =	vand.u32 $0x3FFF, v1;
	[tilespmem:$0x28C0] =	vst v2  }
0xca: {  	[tilespmem:$0x29C0] =	vst v1  }
0xcb: {  	v1 =	vld [tilespmem:s5+$0xFFFFFFE0];
	_ =	sdelay $0x4  }
0xcc: {  	v2 =	vshrl.u32 v1, $0xE  }
0xcd: {  	v1 =	vand.u32 $0x3FFF, v1;
	[tilespmem:$0x28D0] =	vst v2  }
0xce: {  	[tilespmem:$0x29D0] =	vst v1  }
0xcf: {  	v1 =	vld [tilespmem:s5+$0xFFFFFFF0];
	_ =	sdelay $0x4  }
0xd0: {  	v2 =	vshrl.u32 v1, $0xE  }
0xd1: {  	v1 =	vand.u32 $0x3FFF, v1;
	[tilespmem:$0x28E0] =	vst v2  }
0xd2: {  	s11 =	simm.s32 $0xBC0;
	[tilespmem:$0x29E0] =	vst v1  }
.LBB2_4:
0xd3: {  	p1 =	sne.s32 s11, $0x9FC0;
	v1 =	vld [tilespmem:s5+$0x0];
	s5 =	smov.u32 s11;
	s11 =	sadd.s32 $0x400, s11  }
0xd4: {  	_ =	sdelay $0x3  }
0xd5: {  	v2 =	vshrl.u32 v1, $0xE;
	v1 =	vand.u32 $0x3FFF, v1  }
0xd6: {  	[tilespmem:$0x28F0] =	vst v2  }
0xd7: {  	[tilespmem:$0x29F0] =	vst v1  }
0xd8: {  	_ =	swait.ge [sflag:s26], $0x4000  }
0xd9: {  	[sflag:s26] =	ssyncset.done $0x0  }
0xda: {  	[sflag:s26] =	ssyncadd.s32 $0xFFFFC000  }
0xdb: {  	[tilespmem:s29], [sflag:$0x2] =	stream.indirect.gather [hbm4b:s4+s23], $0x80, s28, s23, $0xb8;
	[tilespmem:$0x1EA00] =	vst v63  }
0xdc: {  	_ = 	snop  }
0xdd: {  	[spmem:s2] =	stream.indirect.scatter.add.f32 [tilespmem:s25], [sflag:$0x3], $0x80, s30, s23, $0xb8;
	[tilespmem:$0x1EA00] =	vst v63  }
0xde: {  	_ =	swait.ge [sflag:s22], $0x4000  }
0xdf: {  	[sflag:s22] =	ssyncset.done $0x0  }
0xe0: {  	s5 =	sshra.s32 s5, $0x2;
	[sflag:s22] =	ssyncadd.s32 $0xFFFFC000  }
0xe1: {  	v1 =	vld [tilespmem:s5+$0xFFFFFF10];
	_ =	sdelay $0x4  }
0xe2: {  	v2 =	vshrl.u32 v1, $0xE;
	v1 =	vand.u32 $0x3FFF, v1  }
0xe3: {  	[tilespmem:$0x2800] =	vst v2  }
0xe4: {  	[tilespmem:$0x2900] =	vst v1  }
0xe5: {  	v1 =	vld [tilespmem:s5+$0xFFFFFF20];
	_ =	sdelay $0x4  }
0xe6: {  	v2 =	vshrl.u32 v1, $0xE;
	v1 =	vand.u32 $0x3FFF, v1  }
0xe7: {  	[tilespmem:$0x2810] =	vst v2  }
0xe8: {  	[tilespmem:$0x2910] =	vst v1  }
0xe9: {  	v1 =	vld [tilespmem:s5+$0xFFFFFF30];
	_ =	sdelay $0x4  }
0xea: {  	v2 =	vshrl.u32 v1, $0xE;
	v1 =	vand.u32 $0x3FFF, v1  }
0xeb: {  	[tilespmem:$0x2820] =	vst v2  }
0xec: {  	[tilespmem:$0x2920] =	vst v1  }
0xed: {  	v1 =	vld [tilespmem:s5+$0xFFFFFF40];
	_ =	sdelay $0x4  }
0xee: {  	v2 =	vshrl.u32 v1, $0xE;
	v1 =	vand.u32 $0x3FFF, v1  }
0xef: {  	[tilespmem:$0x2830] =	vst v2  }
0xf0: {  	[tilespmem:$0x2930] =	vst v1  }
0xf1: {  	v1 =	vld [tilespmem:s5+$0xFFFFFF50];
	_ =	sdelay $0x4  }
0xf2: {  	v2 =	vshrl.u32 v1, $0xE;
	v1 =	vand.u32 $0x3FFF, v1  }
0xf3: {  	[tilespmem:$0x2840] =	vst v2  }
0xf4: {  	[tilespmem:$0x2940] =	vst v1  }
0xf5: {  	v1 =	vld [tilespmem:s5+$0xFFFFFF60];
	_ =	sdelay $0x4  }
0xf6: {  	v2 =	vshrl.u32 v1, $0xE;
	v1 =	vand.u32 $0x3FFF, v1  }
0xf7: {  	[tilespmem:$0x2850] =	vst v2  }
0xf8: {  	[tilespmem:$0x2950] =	vst v1  }
0xf9: {  	v1 =	vld [tilespmem:s5+$0xFFFFFF70];
	_ =	sdelay $0x4  }
0xfa: {  	v2 =	vshrl.u32 v1, $0xE;
	v1 =	vand.u32 $0x3FFF, v1  }
0xfb: {  	[tilespmem:$0x2860] =	vst v2  }
0xfc: {  	[tilespmem:$0x2960] =	vst v1  }
0xfd: {  	v1 =	vld [tilespmem:s5+$0xFFFFFF80];
	_ =	sdelay $0x4  }
0xfe: {  	v2 =	vshrl.u32 v1, $0xE;
	v1 =	vand.u32 $0x3FFF, v1  }
0xff: {  	[tilespmem:$0x2870] =	vst v2  }
0x100: {  	[tilespmem:$0x2970] =	vst v1  }
0x101: {  	_ =	swait.ge [sflag:s31], $0x4000  }
0x102: {  	[sflag:s31] =	ssyncset.done $0x0  }
0x103: {  	[sflag:s31] =	ssyncadd.s32 $0xFFFFC000  }
0x104: {  	[tilespmem:s25], [sflag:$0x1] =	stream.indirect.gather [hbm4b:s4+s23], $0x80, s24, s23, $0xb8;
	[tilespmem:$0x1EA00] =	vst v63  }
0x105: {  	_ = 	snop  }
0x106: {  	[spmem:s2] =	stream.indirect.scatter.add.f32 [tilespmem:s29], [sflag:$0x3], $0x80, s1, s23, $0xb8;
	[tilespmem:$0x1EA00] =	vst v63  }
0x107: {  	_ =	swait.ge [sflag:s22], $0x4000  }
0x108: {  	[sflag:s22] =	ssyncset.done $0x0  }
0x109: {  	[sflag:s22] =	ssyncadd.s32 $0xFFFFC000  }
0x10a: {  	v1 =	vld [tilespmem:s5+$0xFFFFFF90];
	_ =	sdelay $0x4  }
0x10b: {  	v2 =	vshrl.u32 v1, $0xE;
	v1 =	vand.u32 $0x3FFF, v1  }
0x10c: {  	[tilespmem:$0x2880] =	vst v2  }
0x10d: {  	[tilespmem:$0x2980] =	vst v1  }
0x10e: {  	v1 =	vld [tilespmem:s5+$0xFFFFFFA0];
	_ =	sdelay $0x4  }
0x10f: {  	v2 =	vshrl.u32 v1, $0xE;
	v1 =	vand.u32 $0x3FFF, v1  }
0x110: {  	[tilespmem:$0x2890] =	vst v2  }
0x111: {  	[tilespmem:$0x2990] =	vst v1  }
0x112: {  	v1 =	vld [tilespmem:s5+$0xFFFFFFB0];
	_ =	sdelay $0x4  }
0x113: {  	v2 =	vshrl.u32 v1, $0xE;
	v1 =	vand.u32 $0x3FFF, v1  }
0x114: {  	[tilespmem:$0x28A0] =	vst v2  }
0x115: {  	[tilespmem:$0x29A0] =	vst v1  }
0x116: {  	v1 =	vld [tilespmem:s5+$0xFFFFFFC0];
	_ =	sdelay $0x4  }
0x117: {  	v2 =	vshrl.u32 v1, $0xE;
	v1 =	vand.u32 $0x3FFF, v1  }
0x118: {  	[tilespmem:$0x28B0] =	vst v2  }
0x119: {  	[tilespmem:$0x29B0] =	vst v1  }
0x11a: {  	v1 =	vld [tilespmem:s5+$0xFFFFFFD0];
	_ =	sdelay $0x4  }
0x11b: {  	v2 =	vshrl.u32 v1, $0xE;
	v1 =	vand.u32 $0x3FFF, v1  }
0x11c: {  	[tilespmem:$0x28C0] =	vst v2  }
0x11d: {  	[tilespmem:$0x29C0] =	vst v1  }
0x11e: {  	v1 =	vld [tilespmem:s5+$0xFFFFFFE0];
	_ =	sdelay $0x4  }
0x11f: {  	v2 =	vshrl.u32 v1, $0xE;
	v1 =	vand.u32 $0x3FFF, v1  }
0x120: {  	[tilespmem:$0x28D0] =	vst v2  }
0x121: {  	[tilespmem:$0x29D0] =	vst v1  }
0x122: {  	v1 =	vld [tilespmem:s5+$0xFFFFFFF0];
	_ =	sdelay $0x2  }
.Ltmp1:
0x123: {  	(pc) =	sbr.rel @p1 .LBB2_4-.Ltmp1, $4  }
0x124: {  	_ = 	snop  }
0x125: {  	v2 =	vshrl.u32 v1, $0xE;
	v1 =	vand.u32 $0x3FFF, v1  }
0x126: {  	[tilespmem:$0x28E0] =	vst v2  }
0x127: {  	[tilespmem:$0x29E0] =	vst v1  }
0x128: {  	v1 =	vld [tilespmem:s5+$0x0];
	_ =	sdelay $0x4  }
0x129: {  	v2 =	vshrl.u32 v1, $0xE  }
0x12a: {  	v1 =	vand.u32 $0x3FFF, v1;
	[tilespmem:$0x28F0] =	vst v2  }
0x12b: {  	[tilespmem:$0x29F0] =	vst v1  }
0x12c: {  	_ =	swait.ge [sflag:s26], $0x4000  }
0x12d: {  	[sflag:s26] =	ssyncset.done $0x0  }
0x12e: {  	[sflag:s26] =	ssyncadd.s32 $0xFFFFC000  }
0x12f: {  	[tilespmem:s29], [sflag:$0x2] =	stream.indirect.gather [hbm4b:s4+s23], $0x80, s28, s23, $0xb8;
	[tilespmem:$0x1EA00] =	vst v63  }
0x130: {  	_ = 	snop  }
0x131: {  	[spmem:s2] =	stream.indirect.scatter.add.f32 [tilespmem:s25], [sflag:$0x3], $0x80, s30, s23, $0xb8;
	[tilespmem:$0x1EA00] =	vst v63  }
0x132: {  	_ =	swait.ge [sflag:s22], $0x4000  }
0x133: {  	[sflag:s22] =	ssyncset.done $0x0  }
0x134: {  	[sflag:s22] =	ssyncadd.s32 $0xFFFFC000  }
0x135: {  	_ =	swait.ge [sflag:s31], $0x4000  }
0x136: {  	[sflag:s31] =	ssyncset.done $0x0  }
0x137: {  	[sflag:s31] =	ssyncadd.s32 $0xFFFFC000  }
0x138: {  	[spmem:s2] =	stream.indirect.scatter.add.f32 [tilespmem:s29], [sflag:$0x3], $0x80, s1, s23, $0xb8;
	[tilespmem:$0x1EA00] =	vst v63  }
0x139: {  	_ =	swait.ge [sflag:s22], $0x4000  }
0x13a: {  	[sflag:s22] =	ssyncset.done $0x0  }
0x13b: {  	[sflag:s22] =	ssyncadd.s32 $0xFFFFC000  }
0x13c: {  	[bflag:$0x0] =	sbarrier.arrive $0xFFFF  }
0x13d: {  	[tilespmem:s25], [sflag:$0x3] =	stream.linear.gather [spmem:s6], $0x4000, $0x38;
	[tilespmem:$0x1EA00] =	vst v63  }
0x13e: {  	_ =	swait.ge [sflag:s22], $0x4000  }
0x13f: {  	[sflag:s22] =	ssyncset.done $0x0  }
0x140: {  	[sflag:s22] =	ssyncadd.s32 $0xFFFFC000  }
0x141: {  	[hbm4b:s16+s3] =	stream.linear.scatter [tilespmem:s25], [sflag:$0x3], $0x4000, $0x38;
	[tilespmem:$0x1EA00] =	vst v63  }
0x142: {  	_ =	swait.ge [sflag:s22], $0x4000  }
0x143: {  	[sflag:s22] =	ssyncset.done $0x0  }
0x144: {  	[sflag:s22] =	ssyncadd.s32 $0xFFFFC000  }
0x145: {  	[tilespmem:s25], [sflag:$0x3] =	stream.linear.gather [spmem:s7], $0x4000, $0x38;
	[tilespmem:$0x1EA00] =	vst v63  }
0x146: {  	_ =	swait.ge [sflag:s22], $0x4000  }
0x147: {  	[sflag:s22] =	ssyncset.done $0x0  }
0x148: {  	[sflag:s22] =	ssyncadd.s32 $0xFFFFC000  }
0x149: {  	[hbm4b:s18+s3] =	stream.linear.scatter [tilespmem:s25], [sflag:$0x3], $0x4000, $0x38;
	[tilespmem:$0x1EA00] =	vst v63  }
0x14a: {  	_ =	swait.ge [sflag:s22], $0x4000  }
0x14b: {  	[sflag:s22] =	ssyncset.done $0x0  }
0x14c: {  	[sflag:s22] =	ssyncadd.s32 $0xFFFFC000  }
0x14d: {  	[tilespmem:s25], [sflag:$0x3] =	stream.linear.gather [spmem:s8], $0x4000, $0x38;
	[tilespmem:$0x1EA00] =	vst v63  }
0x14e: {  	_ =	swait.ge [sflag:s22], $0x4000  }
0x14f: {  	[sflag:s22] =	ssyncset.done $0x0  }
0x150: {  	[sflag:s22] =	ssyncadd.s32 $0xFFFFC000  }
0x151: {  	[hbm4b:s19+s3] =	stream.linear.scatter [tilespmem:s25], [sflag:$0x3], $0x4000, $0x38;
	[tilespmem:$0x1EA00] =	vst v63  }
0x152: {  	_ =	swait.ge [sflag:s22], $0x4000  }
0x153: {  	[sflag:s22] =	ssyncset.done $0x0  }
0x154: {  	[sflag:s22] =	ssyncadd.s32 $0xFFFFC000  }
0x155: {  	[tilespmem:s25], [sflag:$0x3] =	stream.linear.gather [spmem:s9], $0x4000, $0x38;
	[tilespmem:$0x1EA00] =	vst v63  }
0x156: {  	_ =	swait.ge [sflag:s22], $0x4000  }
0x157: {  	[sflag:s22] =	ssyncset.done $0x0  }
0x158: {  	[sflag:s22] =	ssyncadd.s32 $0xFFFFC000  }
0x159: {  	[hbm4b:s20+s3] =	stream.linear.scatter [tilespmem:s25], [sflag:$0x3], $0x4000, $0x38;
	[tilespmem:$0x1EA00] =	vst v63  }
0x15a: {  	_ =	swait.ge [sflag:s22], $0x4000  }
0x15b: {  	[sflag:s22] =	ssyncset.done $0x0  }
0x15c: {  	[sflag:s22] =	ssyncadd.s32 $0xFFFFC000  }
0x15d: {  	[tilespmem:s25], [sflag:$0x3] =	stream.linear.gather [spmem:s10], $0x4000, $0x38;
	[tilespmem:$0x1EA00] =	vst v63  }
0x15e: {  	s0 =	sadd.s32 $0x1, s0;
	_ =	swait.ge [sflag:s22], $0x4000  }
0x15f: {  	p1 =	sne.s32 s0, s17;
	[sflag:s22] =	ssyncset.done $0x0  }
.Ltmp2:
0x160: {  	[sflag:s22] =	ssyncadd.s32 $0xFFFFC000;
	(pc) =	sbr.rel @p1 .LBB2_1-.Ltmp2, $4  }
0x161: {  	[hbm4b:s21+s3] =	stream.linear.scatter [tilespmem:s25], [sflag:$0x3], $0x4000, $0x38;
	[tilespmem:$0x1EA00] =	vst v63  }
0x162: {  	_ =	swait.ge [sflag:s22], $0x4000  }
0x163: {  	[sflag:s22] =	ssyncset.done $0x0  }
0x164: {  	[sflag:s22] =	ssyncadd.s32 $0xFFFFC000  }
0x165: {  	_ =	sfence.sel $0x180000  }
0x166: {  	[bflag:$0x0] =	sbarrier.arrive $0xFFFF  }
0x167: {  	_ =	strace $0x9000004A  }
0x168: {  	s0 =	stileid.u32;
	[bflag:$0x2] =	sbarrier.arrive $0xFFFF  }
0x169: {  	p0 =	sne.s32 s0, $0x0;
	s0 =	rddreg [dreg:$0x2]  }
0x16a: {  	s0 =	sadd.s32 @!p0 $0x100000, s0  }
0x16b: {  	[sflag:s0] =	ssyncadd.tile.s32 @!p0 $0x1;
	_ =	shalt  }
.Lfunc_end2:
_tile_overlayer_lowered:
.L_overlay_start_2:
0x16c: {  	(tag) =	ssettag $0x2  }
0x16d: {  	s0 =	rddreg [dreg:$0x0];
	s2 =	stileid.u32  }
0x16e: {  	s1 =	rddreg [dreg:$0x1];
	p0 =	sne.s32 s2, $0x0  }
0x16f: {  	s3 =	rddreg [dreg:$0x2];
	[bflag:$0x3] =	sbarrier.arrive $0xFFFF;
	s2 =	simm.s32 @!p0 $0x1C03  }
0x170: {  	[timem:s3], [sflag:s2] =	dma.local @!p0 [hbm:s0], s1  }
0x171: {  	s0 =	simm.s32 @!p0 $0x3  }
0x172: {  	_ =	swait.ge @!p0 [sflag:s0], s1  }
0x173: {  	s1 =	ssub.s32 @!p0 $0x0, s1;
	[sflag:s0] =	ssyncset.done @!p0 $0x0  }
0x174: {  	[sflag:s0] =	ssyncadd.s32 @!p0 s1  }
0x175: {  	[bflag:$0x3] =	sbarrier.arrive $0xFFFF  }
0x176: {  	_ =	shalt  }

</sc_bundles>
